<compile_context>
chip_gen: v7x
topology: tpu7x:2x2x1
jax: 0.10.2.dev20260603
libtpu: 0.0.44.dev20260713+nightly
codegen_flags: <defaults>
</compile_context>

<pallas_src>
import functools

import numpy as np
import jax
import jax.numpy as jnp
from jax import lax
from jax.experimental import pallas as pl
from jax.experimental.pallas import tpu as pltpu
from jax.experimental.pallas import tpu_sc as plsc

_HEIGHT = 128
_MAX_SCALE = 3.5
_KS = 31
_PAD = _KS // 2
_EPS = 1e-8
_B, _S = 64, 4096

_NC, _NS, _L = 2, 16, 16
_NW = _NC * _NS
_ROWS_PER_W = _B // _NW
_SBLK = 256
_NCHUNK = _S // _SBLK
_GRP = 16


def _build_table() -> np.ndarray:
    xs = np.arange(_KS, dtype=np.float32) - _KS // 2
    g = np.exp(-(xs ** 2) / np.float32(2.0)).astype(np.float32)
    g = (g / g.sum()).astype(np.float32)

    def refl(p):
        if p < 0:
            return -p
        if p > _HEIGHT - 1:
            return 2 * (_HEIGHT - 1) - p
        return p

    pidx = [refl(p) for p in range(-_PAD, _HEIGHT + _PAD)]
    tt = np.zeros((_HEIGHT, _HEIGHT), np.float32)
    for h in range(_HEIGHT):
        for k in range(_KS):
            tt[h, pidx[h + k]] += g[k]
    return tt


_TT = _build_table()

_mesh = plsc.VectorSubcoreMesh(core_axis_name="c", subcore_axis_name="s")


@functools.partial(
    pl.kernel,
    out_type=jax.ShapeDtypeStruct((_B, _HEIGHT, _S), jnp.float32),
    mesh=_mesh,
    scratch_types=[
        pltpu.VMEM((_HEIGHT * _HEIGHT,), jnp.float32),
        pltpu.VMEM((_S,), jnp.float32),
        pltpu.VMEM((_ROWS_PER_W * _S,), jnp.int32),
        pltpu.VMEM((_L,), jnp.float32),
        pltpu.VMEM((_HEIGHT, _SBLK), jnp.float32),
        pltpu.VMEM((_HEIGHT, _SBLK), jnp.float32),
        pltpu.SemaphoreType.DMA,
        pltpu.SemaphoreType.DMA,
    ],
    compiler_params=pltpu.CompilerParams(needs_layout_passes=False),
)
def _sc_kern(x_hbm, tt_hbm, out_hbm, tt_v, xrow_v, bin_v, red_v, ob0, ob1,
             sem0, sem1):
    def _hsum(vec):
        tot = vec[0]
        for j in range(1, _L):
            tot = tot + vec[j]
        return tot

    wid = lax.axis_index("s") * _NC + lax.axis_index("c")
    pltpu.sync_copy(tt_hbm, tt_v)

    obufs = (ob0, ob1)
    sems = (sem0, sem1)
    nv = _S // _L
    zeros = jnp.zeros((_L,), jnp.float32)

    for r in range(_ROWS_PER_W):
        b = wid * _ROWS_PER_W + r
        pltpu.sync_copy(x_hbm.at[b], xrow_v)

        def s_body(i, acc):
            return acc + xrow_v[pl.ds(i * _L, _L)]
        s1 = lax.fori_loop(0, nv, s_body, zeros)
        mean = _hsum(s1) * (1.0 / _S)
        meanv = jnp.full((_L,), mean, jnp.float32)

        def v_body(i, acc):
            d = xrow_v[pl.ds(i * _L, _L)] - meanv
            return acc + d * d
        s2 = lax.fori_loop(0, nv, v_body, zeros)
        varv = jnp.full((_L,), _hsum(s2) * (1.0 / (_S - 1)), jnp.float32)

        bits = lax.bitcast_convert_type(varv, jnp.int32)
        y = lax.bitcast_convert_type(
            jnp.int32(0x5F3759DF) - lax.shift_right_logical(bits, 1),
            jnp.float32)
        for _ in range(3):
            y = y * (1.5 - 0.5 * varv * y * y)
        stdv = varv * y + _EPS
        invv = 1.0 / stdv

        def b_body(i, _):
            v = xrow_v[pl.ds(i * _L, _L)]
            xn = jnp.clip((v - meanv) * invv, -_MAX_SCALE, _MAX_SCALE)
            t = (xn + _MAX_SCALE) / (2.0 * _MAX_SCALE) * _HEIGHT
            bin_v[pl.ds(r * _S + i * _L, _L)] = jnp.clip(
                t.astype(jnp.int32), 0, _HEIGHT - 1)
            return 0
        lax.fori_loop(0, nv, b_body, 0)

    total = _ROWS_PER_W * _NCHUNK

    @pl.loop(0, total, step=2)
    def _(cbase):
        for k in range(2):
            c = cbase + k
            row = c // _NCHUNK
            b = wid * _ROWS_PER_W + row
            coff = (c % _NCHUNK) * _SBLK
            buf = obufs[k]
            dst = out_hbm.at[b, :, pl.ds(coff, _SBLK)]

            @pl.when(c >= 2)
            def _():
                pltpu.make_async_copy(buf, dst, sems[k]).wait()

            for q in range(_SBLK // (_GRP * _L)):
                gis = tuple(
                    bin_v[pl.ds(row * _S + coff + (q * _GRP + j) * _L, _L)]
                    for j in range(_GRP))

                @plsc.parallel_loop(0, _HEIGHT, carry=gis, unroll=2)
                def _(h, gis):
                    for j in range(_GRP):
                        buf[h, pl.ds((q * _GRP + j) * _L, _L)] = (
                            plsc.load_gather(tt_v, [gis[j]]))
                    return tuple(g + _HEIGHT for g in gis)

            pltpu.make_async_copy(buf, dst, sems[k]).start()

    for k in range(2):
        drain_dst = out_hbm.at[wid * _ROWS_PER_W, :, pl.ds(0, _SBLK)]
        pltpu.make_async_copy(obufs[k], drain_dst, sems[k]).wait()


@jax.jit
def kernel(x):
    out = _sc_kern(x, jnp.asarray(_TT.reshape(-1)))
    return out.reshape(_B, 1, _HEIGHT, _S)

# --- scband reference (transcript-rebuilt; emitter-appended) ---
"""Pipeline reference for scband-preprocessing-66829691126345 (READ-ONLY COPY).

The authoritative reference and input builder live on the scoring server;
editing this copy changes nothing except your own understanding.
"""

import jax, jax.numpy as jnp
import numpy as np

HEIGHT = 128
MAX_SCALE = 3.5
KERNEL_SIZE = 31
SIGMA = 1.0
EPS = 1e-8


def setup_inputs(seed: int = 0) -> dict:
    key = jax.random.key(seed)
    x = jax.random.normal(key, (64, 4096), dtype=jnp.float32)
    return {"x": x}


def reference(x):
    # Standardizer.fit_transform (torch.std default is unbiased, ddof=1)
    mean = jnp.mean(x, axis=-1, keepdims=True)
    std = jnp.std(x, axis=-1, ddof=1, keepdims=True) + EPS
    x_norm = (x - mean) / std

    # TimeSeriesTo2D.forward: clip, bin, one-hot stripe image
    x_clipped = jnp.clip(x_norm, -MAX_SCALE, MAX_SCALE)
    bin_indices = (x_clipped + MAX_SCALE) / (2.0 * MAX_SCALE) * HEIGHT
    bin_indices = jnp.clip(bin_indices.astype(jnp.int32), 0, HEIGHT - 1)
    one_hot = jax.nn.one_hot(bin_indices, HEIGHT, dtype=jnp.float32)  # (B, S, H)
    image = jnp.transpose(one_hot, (0, 2, 1))[:, None, :, :]  # (B, 1, H, S)

    # VerticalGaussianBlur.forward: reflect-pad along height, depthwise conv
    xs = jnp.arange(KERNEL_SIZE, dtype=jnp.float32) - KERNEL_SIZE // 2
    g = jnp.exp(-xs ** 2 / (2.0 * SIGMA ** 2))
    g = g / jnp.sum(g)
    kernel = g.reshape(1, 1, KERNEL_SIZE, 1)  # OIHW, channels=1
    pad = KERNEL_SIZE // 2
    x_padded = jnp.pad(image, ((0, 0), (0, 0), (pad, pad), (0, 0)), mode="reflect")
    blurred = jax.lax.conv_general_dilated(
        x_padded, kernel,
        window_strides=(1, 1),
        padding="VALID",
        dimension_numbers=("NCHW", "OIHW", "NCHW"),
    )
    return blurred

if __name__ == "__main__":
    import jax
    _d = setup_inputs()
    print(jax.jit(kernel)(*tuple(_d.values())))

</pallas_src>

<mosaic_0001>
#map = affine_map<(d0, d1) -> (0, 0)>
#map1 = affine_map<(d0, d1) -> (0)>
#map2 = affine_map<(d0, d1) -> (0, 0, 0)>
module attributes {stable_mosaic.version = 14 : i64} {
  func.func @_sc_kern(%arg0: i32, %arg1: i32, %arg2: memref<64x4096xf32, #tpu.memory_space<hbm>>, %arg3: memref<16384xf32, #tpu.memory_space<hbm>>, %arg4: memref<64x128x4096xf32, #tpu.memory_space<hbm>>, %arg5: memref<16384xf32, #tpu.memory_space<vmem>>, %arg6: memref<4096xf32, #tpu.memory_space<vmem>>, %arg7: memref<8192xi32, #tpu.memory_space<vmem>>, %arg8: memref<16xf32, #tpu.memory_space<vmem>>, %arg9: memref<128x256xf32, #tpu.memory_space<vmem>>, %arg10: memref<128x256xf32, #tpu.memory_space<vmem>>, %arg11: memref<!tpu.dma_semaphore, #tpu.memory_space<semaphore_mem>>, %arg12: memref<!tpu.dma_semaphore, #tpu.memory_space<semaphore_mem>>) attributes {dimension_semantics = [#tpu.dimension_semantics<core_parallel>, #tpu.dimension_semantics<subcore_parallel>], iteration_bounds = array<i64: 2, 16>, scalar_prefetch = 0 : i64, scratch_operands = 8 : i64, tpu.core_type = #tpu.core_type<sc_vector_subcore>, window_params = [{transform_indices = #map}, {transform_indices = #map1}, {transform_indices = #map2}]} {
    %mul3A = arith.constant 2 : i32
    %mul3A_0 = arith.muli %arg1, %mul3A : i32
    %add3A = arith.addi %mul3A_0, %arg0 : i32
    "tpu.region"() ({
      %run_scoped3A = tpu.sem_alloc : memref<!tpu.dma_semaphore, #tpu.memory_space<semaphore_mem>>
      tpu.enqueue_dma source(%arg3 : memref<16384xf32, #tpu.memory_space<hbm>>) target(%arg5 : memref<16384xf32, #tpu.memory_space<vmem>>) target_semaphore(%run_scoped3A : memref<!tpu.dma_semaphore, #tpu.memory_space<semaphore_mem>>)
      tpu.wait_dma2 semaphore(%run_scoped3A : memref<!tpu.dma_semaphore, #tpu.memory_space<semaphore_mem>>) src(%arg3 : memref<16384xf32, #tpu.memory_space<hbm>>) dst(%arg5 : memref<16384xf32, #tpu.memory_space<vmem>>)
      tpu.yield
    }) : () -> ()
    %broadcast_in_dim3A = arith.constant 0.000000e+00 : f32
    %broadcast_in_dim3A_1 = vector.broadcast %broadcast_in_dim3A : f32 to vector<16xf32>
    %mul3A_2 = arith.constant 2 : i32
    %mul3A_3 = arith.muli %add3A, %mul3A_2 : i32
    %add3A_4 = arith.constant 0 : i32
    %add3A_5 = arith.addi %mul3A_3, %add3A_4 : i32
    "tpu.region"() ({
      %run_scoped3A = tpu.sem_alloc : memref<!tpu.dma_semaphore, #tpu.memory_space<semaphore_mem>>
      %dma_start3A = arith.constant 0 : i32
      %dma_start3A_349 = tpu.memref_slice %arg2[%add3A_5, %dma_start3A] : memref<64x4096xf32, #tpu.memory_space<hbm>> -> memref<1x4096xf32, #tpu.memory_space<hbm>>
      %dma_start3A_350 = tpu.memref_squeeze %dma_start3A_349 : memref<1x4096xf32, #tpu.memory_space<hbm>> -> memref<4096xf32, #tpu.memory_space<hbm>>
      %dma_start3A_351 = arith.constant 0 : i32
      %dma_start3A_352 = tpu.memref_slice %arg2[%add3A_5, %dma_start3A_351] : memref<64x4096xf32, #tpu.memory_space<hbm>> -> memref<1x4096xf32, #tpu.memory_space<hbm>>
      %dma_start3A_353 = tpu.memref_squeeze %dma_start3A_352 : memref<1x4096xf32, #tpu.memory_space<hbm>> -> memref<4096xf32, #tpu.memory_space<hbm>>
      tpu.enqueue_dma source(%dma_start3A_353 : memref<4096xf32, #tpu.memory_space<hbm>>) target(%arg6 : memref<4096xf32, #tpu.memory_space<vmem>>) target_semaphore(%run_scoped3A : memref<!tpu.dma_semaphore, #tpu.memory_space<semaphore_mem>>)
      %dma_wait3A_354 = arith.constant 0 : i32
      %dma_wait3A_355 = tpu.memref_slice %arg2[%add3A_5, %dma_wait3A_354] : memref<64x4096xf32, #tpu.memory_space<hbm>> -> memref<1x4096xf32, #tpu.memory_space<hbm>>
      %dma_wait3A_356 = tpu.memref_squeeze %dma_wait3A_355 : memref<1x4096xf32, #tpu.memory_space<hbm>> -> memref<4096xf32, #tpu.memory_space<hbm>>
      %dma_wait3A_357 = arith.constant 0 : i32
      %dma_wait3A_358 = tpu.memref_slice %arg2[%add3A_5, %dma_wait3A_357] : memref<64x4096xf32, #tpu.memory_space<hbm>> -> memref<1x4096xf32, #tpu.memory_space<hbm>>
      %dma_wait3A_359 = tpu.memref_squeeze %dma_wait3A_358 : memref<1x4096xf32, #tpu.memory_space<hbm>> -> memref<4096xf32, #tpu.memory_space<hbm>>
      tpu.wait_dma2 semaphore(%run_scoped3A : memref<!tpu.dma_semaphore, #tpu.memory_space<semaphore_mem>>) src(%dma_wait3A_359 : memref<4096xf32, #tpu.memory_space<hbm>>) dst(%arg6 : memref<4096xf32, #tpu.memory_space<vmem>>)
      tpu.yield
    }) : () -> ()
    %scan3A = arith.constant 0 : i32
    %scan3A_6 = arith.constant 256 : i32
    %scan3A_7 = arith.addi %scan3A, %scan3A_6 : i32
    %scan3A_8 = arith.constant 1 : i32
    %scan3A_9 = scf.for %scan3A_349 = %scan3A to %scan3A_7 step %scan3A_8 iter_args(%scan3A_350 = %broadcast_in_dim3A_1) -> (vector<16xf32>)  : i32 {
      %mul3A_351 = arith.constant 16 : i32
      %mul3A_352 = arith.muli %scan3A_349, %mul3A_351 : i32
      %get3A = arith.index_cast %mul3A_352 : i32 to index
      %get3A_353 = tpu.vector_load %arg6[%get3A] {strides = array<i32>} : memref<4096xf32, #tpu.memory_space<vmem>>, vector<16xf32>,
      %add3A_354 = arith.addf %scan3A_350, %get3A_353 : vector<16xf32>
      scf.yield %add3A_354 : vector<16xf32>
    }
    %scan3A_10 = arith.constant 256 : i32
    %slice3A = vector.extract_strided_slice %scan3A_9 {offsets = [0], sizes = [1], strides = [1]} : vector<16xf32> to vector<1xf32>
    %squeeze3A = vector.extract %slice3A[0] : f32 from vector<1xf32>
    %slice3A_11 = vector.extract_strided_slice %scan3A_9 {offsets = [1], sizes = [1], strides = [1]} : vector<16xf32> to vector<1xf32>
    %squeeze3A_12 = vector.extract %slice3A_11[0] : f32 from vector<1xf32>
    %add3A_13 = arith.addf %squeeze3A, %squeeze3A_12 : f32
    %slice3A_14 = vector.extract_strided_slice %scan3A_9 {offsets = [2], sizes = [1], strides = [1]} : vector<16xf32> to vector<1xf32>
    %squeeze3A_15 = vector.extract %slice3A_14[0] : f32 from vector<1xf32>
    %add3A_16 = arith.addf %add3A_13, %squeeze3A_15 : f32
    %slice3A_17 = vector.extract_strided_slice %scan3A_9 {offsets = [3], sizes = [1], strides = [1]} : vector<16xf32> to vector<1xf32>
    %squeeze3A_18 = vector.extract %slice3A_17[0] : f32 from vector<1xf32>
    %add3A_19 = arith.addf %add3A_16, %squeeze3A_18 : f32
    %slice3A_20 = vector.extract_strided_slice %scan3A_9 {offsets = [4], sizes = [1], strides = [1]} : vector<16xf32> to vector<1xf32>
    %squeeze3A_21 = vector.extract %slice3A_20[0] : f32 from vector<1xf32>
    %add3A_22 = arith.addf %add3A_19, %squeeze3A_21 : f32
    %slice3A_23 = vector.extract_strided_slice %scan3A_9 {offsets = [5], sizes = [1], strides = [1]} : vector<16xf32> to vector<1xf32>
    %squeeze3A_24 = vector.extract %slice3A_23[0] : f32 from vector<1xf32>
    %add3A_25 = arith.addf %add3A_22, %squeeze3A_24 : f32
    %slice3A_26 = vector.extract_strided_slice %scan3A_9 {offsets = [6], sizes = [1], strides = [1]} : vector<16xf32> to vector<1xf32>
    %squeeze3A_27 = vector.extract %slice3A_26[0] : f32 from vector<1xf32>
    %add3A_28 = arith.addf %add3A_25, %squeeze3A_27 : f32
    %slice3A_29 = vector.extract_strided_slice %scan3A_9 {offsets = [7], sizes = [1], strides = [1]} : vector<16xf32> to vector<1xf32>
    %squeeze3A_30 = vector.extract %slice3A_29[0] : f32 from vector<1xf32>
    %add3A_31 = arith.addf %add3A_28, %squeeze3A_30 : f32
    %slice3A_32 = vector.extract_strided_slice %scan3A_9 {offsets = [8], sizes = [1], strides = [1]} : vector<16xf32> to vector<1xf32>
    %squeeze3A_33 = vector.extract %slice3A_32[0] : f32 from vector<1xf32>
    %add3A_34 = arith.addf %add3A_31, %squeeze3A_33 : f32
    %slice3A_35 = vector.extract_strided_slice %scan3A_9 {offsets = [9], sizes = [1], strides = [1]} : vector<16xf32> to vector<1xf32>
    %squeeze3A_36 = vector.extract %slice3A_35[0] : f32 from vector<1xf32>
    %add3A_37 = arith.addf %add3A_34, %squeeze3A_36 : f32
    %slice3A_38 = vector.extract_strided_slice %scan3A_9 {offsets = [10], sizes = [1], strides = [1]} : vector<16xf32> to vector<1xf32>
    %squeeze3A_39 = vector.extract %slice3A_38[0] : f32 from vector<1xf32>
    %add3A_40 = arith.addf %add3A_37, %squeeze3A_39 : f32
    %slice3A_41 = vector.extract_strided_slice %scan3A_9 {offsets = [11], sizes = [1], strides = [1]} : vector<16xf32> to vector<1xf32>
    %squeeze3A_42 = vector.extract %slice3A_41[0] : f32 from vector<1xf32>
    %add3A_43 = arith.addf %add3A_40, %squeeze3A_42 : f32
    %slice3A_44 = vector.extract_strided_slice %scan3A_9 {offsets = [12], sizes = [1], strides = [1]} : vector<16xf32> to vector<1xf32>
    %squeeze3A_45 = vector.extract %slice3A_44[0] : f32 from vector<1xf32>
    %add3A_46 = arith.addf %add3A_43, %squeeze3A_45 : f32
    %slice3A_47 = vector.extract_strided_slice %scan3A_9 {offsets = [13], sizes = [1], strides = [1]} : vector<16xf32> to vector<1xf32>
    %squeeze3A_48 = vector.extract %slice3A_47[0] : f32 from vector<1xf32>
    %add3A_49 = arith.addf %add3A_46, %squeeze3A_48 : f32
    %slice3A_50 = vector.extract_strided_slice %scan3A_9 {offsets = [14], sizes = [1], strides = [1]} : vector<16xf32> to vector<1xf32>
    %squeeze3A_51 = vector.extract %slice3A_50[0] : f32 from vector<1xf32>
    %add3A_52 = arith.addf %add3A_49, %squeeze3A_51 : f32
    %slice3A_53 = vector.extract_strided_slice %scan3A_9 {offsets = [15], sizes = [1], strides = [1]} : vector<16xf32> to vector<1xf32>
    %squeeze3A_54 = vector.extract %slice3A_53[0] : f32 from vector<1xf32>
    %add3A_55 = arith.addf %add3A_52, %squeeze3A_54 : f32
    %mul3A_56 = arith.constant 2.44140625E-4 : f32
    %mul3A_57 = arith.mulf %add3A_55, %mul3A_56 : f32
    %broadcast_in_dim3A_58 = vector.broadcast %mul3A_57 : f32 to vector<16xf32>
    %scan3A_59 = arith.constant 0 : i32
    %scan3A_60 = arith.constant 256 : i32
    %scan3A_61 = arith.addi %scan3A_59, %scan3A_60 : i32
    %scan3A_62 = arith.constant 1 : i32
    %scan3A_63 = scf.for %scan3A_349 = %scan3A_59 to %scan3A_61 step %scan3A_62 iter_args(%scan3A_350 = %broadcast_in_dim3A_1) -> (vector<16xf32>)  : i32 {
      %mul3A_351 = arith.constant 16 : i32
      %mul3A_352 = arith.muli %scan3A_349, %mul3A_351 : i32
      %get3A = arith.index_cast %mul3A_352 : i32 to index
      %get3A_353 = tpu.vector_load %arg6[%get3A] {strides = array<i32>} : memref<4096xf32, #tpu.memory_space<vmem>>, vector<16xf32>,
      %sub3A_354 = arith.subf %get3A_353, %broadcast_in_dim3A_58 : vector<16xf32>
      %mul3A_355 = arith.mulf %sub3A_354, %sub3A_354 : vector<16xf32>
      %add3A_356 = arith.addf %scan3A_350, %mul3A_355 : vector<16xf32>
      scf.yield %add3A_356 : vector<16xf32>
    }
    %scan3A_64 = arith.constant 256 : i32
    %slice3A_65 = vector.extract_strided_slice %scan3A_63 {offsets = [0], sizes = [1], strides = [1]} : vector<16xf32> to vector<1xf32>
    %squeeze3A_66 = vector.extract %slice3A_65[0] : f32 from vector<1xf32>
    %slice3A_67 = vector.extract_strided_slice %scan3A_63 {offsets = [1], sizes = [1], strides = [1]} : vector<16xf32> to vector<1xf32>
    %squeeze3A_68 = vector.extract %slice3A_67[0] : f32 from vector<1xf32>
    %add3A_69 = arith.addf %squeeze3A_66, %squeeze3A_68 : f32
    %slice3A_70 = vector.extract_strided_slice %scan3A_63 {offsets = [2], sizes = [1], strides = [1]} : vector<16xf32> to vector<1xf32>
    %squeeze3A_71 = vector.extract %slice3A_70[0] : f32 from vector<1xf32>
    %add3A_72 = arith.addf %add3A_69, %squeeze3A_71 : f32
    %slice3A_73 = vector.extract_strided_slice %scan3A_63 {offsets = [3], sizes = [1], strides = [1]} : vector<16xf32> to vector<1xf32>
    %squeeze3A_74 = vector.extract %slice3A_73[0] : f32 from vector<1xf32>
    %add3A_75 = arith.addf %add3A_72, %squeeze3A_74 : f32
    %slice3A_76 = vector.extract_strided_slice %scan3A_63 {offsets = [4], sizes = [1], strides = [1]} : vector<16xf32> to vector<1xf32>
    %squeeze3A_77 = vector.extract %slice3A_76[0] : f32 from vector<1xf32>
    %add3A_78 = arith.addf %add3A_75, %squeeze3A_77 : f32
    %slice3A_79 = vector.extract_strided_slice %scan3A_63 {offsets = [5], sizes = [1], strides = [1]} : vector<16xf32> to vector<1xf32>
    %squeeze3A_80 = vector.extract %slice3A_79[0] : f32 from vector<1xf32>
    %add3A_81 = arith.addf %add3A_78, %squeeze3A_80 : f32
    %slice3A_82 = vector.extract_strided_slice %scan3A_63 {offsets = [6], sizes = [1], strides = [1]} : vector<16xf32> to vector<1xf32>
    %squeeze3A_83 = vector.extract %slice3A_82[0] : f32 from vector<1xf32>
    %add3A_84 = arith.addf %add3A_81, %squeeze3A_83 : f32
    %slice3A_85 = vector.extract_strided_slice %scan3A_63 {offsets = [7], sizes = [1], strides = [1]} : vector<16xf32> to vector<1xf32>
    %squeeze3A_86 = vector.extract %slice3A_85[0] : f32 from vector<1xf32>
    %add3A_87 = arith.addf %add3A_84, %squeeze3A_86 : f32
    %slice3A_88 = vector.extract_strided_slice %scan3A_63 {offsets = [8], sizes = [1], strides = [1]} : vector<16xf32> to vector<1xf32>
    %squeeze3A_89 = vector.extract %slice3A_88[0] : f32 from vector<1xf32>
    %add3A_90 = arith.addf %add3A_87, %squeeze3A_89 : f32
    %slice3A_91 = vector.extract_strided_slice %scan3A_63 {offsets = [9], sizes = [1], strides = [1]} : vector<16xf32> to vector<1xf32>
    %squeeze3A_92 = vector.extract %slice3A_91[0] : f32 from vector<1xf32>
    %add3A_93 = arith.addf %add3A_90, %squeeze3A_92 : f32
    %slice3A_94 = vector.extract_strided_slice %scan3A_63 {offsets = [10], sizes = [1], strides = [1]} : vector<16xf32> to vector<1xf32>
    %squeeze3A_95 = vector.extract %slice3A_94[0] : f32 from vector<1xf32>
    %add3A_96 = arith.addf %add3A_93, %squeeze3A_95 : f32
    %slice3A_97 = vector.extract_strided_slice %scan3A_63 {offsets = [11], sizes = [1], strides = [1]} : vector<16xf32> to vector<1xf32>
    %squeeze3A_98 = vector.extract %slice3A_97[0] : f32 from vector<1xf32>
    %add3A_99 = arith.addf %add3A_96, %squeeze3A_98 : f32
    %slice3A_100 = vector.extract_strided_slice %scan3A_63 {offsets = [12], sizes = [1], strides = [1]} : vector<16xf32> to vector<1xf32>
    %squeeze3A_101 = vector.extract %slice3A_100[0] : f32 from vector<1xf32>
    %add3A_102 = arith.addf %add3A_99, %squeeze3A_101 : f32
    %slice3A_103 = vector.extract_strided_slice %scan3A_63 {offsets = [13], sizes = [1], strides = [1]} : vector<16xf32> to vector<1xf32>
    %squeeze3A_104 = vector.extract %slice3A_103[0] : f32 from vector<1xf32>
    %add3A_105 = arith.addf %add3A_102, %squeeze3A_104 : f32
    %slice3A_106 = vector.extract_strided_slice %scan3A_63 {offsets = [14], sizes = [1], strides = [1]} : vector<16xf32> to vector<1xf32>
    %squeeze3A_107 = vector.extract %slice3A_106[0] : f32 from vector<1xf32>
    %add3A_108 = arith.addf %add3A_105, %squeeze3A_107 : f32
    %slice3A_109 = vector.extract_strided_slice %scan3A_63 {offsets = [15], sizes = [1], strides = [1]} : vector<16xf32> to vector<1xf32>
    %squeeze3A_110 = vector.extract %slice3A_109[0] : f32 from vector<1xf32>
    %add3A_111 = arith.addf %add3A_108, %squeeze3A_110 : f32
    %mul3A_112 = arith.constant 2.44200259E-4 : f32
    %mul3A_113 = arith.mulf %add3A_111, %mul3A_112 : f32
    %broadcast_in_dim3A_114 = vector.broadcast %mul3A_113 : f32 to vector<16xf32>
    %bitcast_convert_type3A = tpu.bitcast %broadcast_in_dim3A_114 : vector<16xf32> -> vector<16xi32>
    %shift_right_logical3A = arith.constant 1 : i32
    %shift_right_logical3A_115 = vector.broadcast %shift_right_logical3A : i32 to vector<16xi32>
    %shift_right_logical3A_116 = arith.shrui %bitcast_convert_type3A, %shift_right_logical3A_115 : vector<16xi32>
    %sub3A = arith.constant 1597463007 : i32
    %sub3A_117 = vector.broadcast %sub3A : i32 to vector<16xi32>
    %sub3A_118 = arith.subi %sub3A_117, %shift_right_logical3A_116 : vector<16xi32>
    %bitcast_convert_type3A_119 = tpu.bitcast %sub3A_118 : vector<16xi32> -> vector<16xf32>
    %mul3A_120 = arith.constant 5.000000e-01 : f32
    %mul3A_121 = vector.broadcast %mul3A_120 : f32 to vector<16xf32>
    %mul3A_122 = arith.mulf %mul3A_121, %broadcast_in_dim3A_114 : vector<16xf32>
    %mul3A_123 = arith.mulf %mul3A_122, %bitcast_convert_type3A_119 : vector<16xf32>
    %mul3A_124 = arith.mulf %mul3A_123, %bitcast_convert_type3A_119 : vector<16xf32>
    %sub3A_125 = arith.constant 1.500000e+00 : f32
    %sub3A_126 = vector.broadcast %sub3A_125 : f32 to vector<16xf32>
    %sub3A_127 = arith.subf %sub3A_126, %mul3A_124 : vector<16xf32>
    %mul3A_128 = arith.mulf %bitcast_convert_type3A_119, %sub3A_127 : vector<16xf32>
    %mul3A_129 = arith.constant 5.000000e-01 : f32
    %mul3A_130 = vector.broadcast %mul3A_129 : f32 to vector<16xf32>
    %mul3A_131 = arith.mulf %mul3A_130, %broadcast_in_dim3A_114 : vector<16xf32>
    %mul3A_132 = arith.mulf %mul3A_131, %mul3A_128 : vector<16xf32>
    %mul3A_133 = arith.mulf %mul3A_132, %mul3A_128 : vector<16xf32>
    %sub3A_134 = arith.constant 1.500000e+00 : f32
    %sub3A_135 = vector.broadcast %sub3A_134 : f32 to vector<16xf32>
    %sub3A_136 = arith.subf %sub3A_135, %mul3A_133 : vector<16xf32>
    %mul3A_137 = arith.mulf %mul3A_128, %sub3A_136 : vector<16xf32>
    %mul3A_138 = arith.constant 5.000000e-01 : f32
    %mul3A_139 = vector.broadcast %mul3A_138 : f32 to vector<16xf32>
    %mul3A_140 = arith.mulf %mul3A_139, %broadcast_in_dim3A_114 : vector<16xf32>
    %mul3A_141 = arith.mulf %mul3A_140, %mul3A_137 : vector<16xf32>
    %mul3A_142 = arith.mulf %mul3A_141, %mul3A_137 : vector<16xf32>
    %sub3A_143 = arith.constant 1.500000e+00 : f32
    %sub3A_144 = vector.broadcast %sub3A_143 : f32 to vector<16xf32>
    %sub3A_145 = arith.subf %sub3A_144, %mul3A_142 : vector<16xf32>
    %mul3A_146 = arith.mulf %mul3A_137, %sub3A_145 : vector<16xf32>
    %mul3A_147 = arith.mulf %broadcast_in_dim3A_114, %mul3A_146 : vector<16xf32>
    %add3A_148 = arith.constant 9.99999993E-9 : f32
    %add3A_149 = vector.broadcast %add3A_148 : f32 to vector<16xf32>
    %add3A_150 = arith.addf %mul3A_147, %add3A_149 : vector<16xf32>
    %div3A = arith.constant 1.000000e+00 : f32
    %div3A_151 = vector.broadcast %div3A : f32 to vector<16xf32>
    %div3A_152 = arith.divf %div3A_151, %add3A_150 : vector<16xf32>
    %scan3A_153 = arith.constant 0 : i32
    %scan3A_154 = arith.constant 0 : i32
    %scan3A_155 = arith.constant 256 : i32
    %scan3A_156 = arith.addi %scan3A_154, %scan3A_155 : i32
    %scan3A_157 = arith.constant 1 : i32
    %scan3A_158 = scf.for %scan3A_349 = %scan3A_154 to %scan3A_156 step %scan3A_157 iter_args(%scan3A_350 = %scan3A_153) -> (i32)  : i32 {
      %mul3A_351 = arith.constant 16 : i32
      %mul3A_352 = arith.muli %scan3A_349, %mul3A_351 : i32
      %get3A = arith.index_cast %mul3A_352 : i32 to index
      %get3A_353 = tpu.vector_load %arg6[%get3A] {strides = array<i32>} : memref<4096xf32, #tpu.memory_space<vmem>>, vector<16xf32>,
      %sub3A_354 = arith.subf %get3A_353, %broadcast_in_dim3A_58 : vector<16xf32>
      %mul3A_355 = arith.mulf %sub3A_354, %div3A_152 : vector<16xf32>
      %jit3A = arith.constant -3.500000e+00 : f32
      %jit3A_356 = arith.constant 3.500000e+00 : f32
      %max3A = vector.broadcast %jit3A : f32 to vector<16xf32>
      %max3A_357 = arith.maximumf %max3A, %mul3A_355 : vector<16xf32>
      %min3A = vector.broadcast %jit3A_356 : f32 to vector<16xf32>
      %min3A_358 = arith.minimumf %min3A, %max3A_357 : vector<16xf32>
      %add3A_359 = arith.constant 3.500000e+00 : f32
      %add3A_360 = vector.broadcast %add3A_359 : f32 to vector<16xf32>
      %add3A_361 = arith.addf %min3A_358, %add3A_360 : vector<16xf32>
      %div3A_362 = arith.constant 7.000000e+00 : f32
      %div3A_363 = vector.broadcast %div3A_362 : f32 to vector<16xf32>
      %div3A_364 = arith.divf %add3A_361, %div3A_363 : vector<16xf32>
      %mul3A_365 = arith.constant 1.280000e+02 : f32
      %mul3A_366 = vector.broadcast %mul3A_365 : f32 to vector<16xf32>
      %mul3A_367 = arith.mulf %div3A_364, %mul3A_366 : vector<16xf32>
      %convert_element_type3A = arith.fptosi %mul3A_367 : vector<16xf32> to vector<16xi32>
      %jit3A_368 = arith.constant 0 : i32
      %jit3A_369 = arith.constant 127 : i32
      %max3A_370 = vector.broadcast %jit3A_368 : i32 to vector<16xi32>
      %max3A_371 = arith.maxsi %max3A_370, %convert_element_type3A : vector<16xi32>
      %min3A_372 = vector.broadcast %jit3A_369 : i32 to vector<16xi32>
      %min3A_373 = arith.minsi %min3A_372, %max3A_371 : vector<16xi32>
      %mul3A_374 = arith.constant 16 : i32
      %mul3A_375 = arith.muli %scan3A_349, %mul3A_374 : i32
      %add3A_376 = arith.constant 0 : i32
      %add3A_377 = arith.addi %add3A_376, %mul3A_375 : i32
      %swap3A = arith.index_cast %add3A_377 : i32 to index
      %swap3A_378 = tpu.vector_load %arg7[%swap3A] {strides = array<i32>} : memref<8192xi32, #tpu.memory_space<vmem>>, vector<16xi32>,
      tpu.vector_store %arg7[%swap3A], %min3A_373 {strides = array<i32>} : memref<8192xi32, #tpu.memory_space<vmem>>, vector<16xi32>,
      %scan3A_379 = arith.constant 0 : i32
      scf.yield %scan3A_379 : i32
    }
    %scan3A_159 = arith.constant 256 : i32
    %mul3A_160 = arith.constant 2 : i32
    %mul3A_161 = arith.muli %add3A, %mul3A_160 : i32
    %add3A_162 = arith.constant 1 : i32
    %add3A_163 = arith.addi %mul3A_161, %add3A_162 : i32
    "tpu.region"() ({
      %run_scoped3A = tpu.sem_alloc : memref<!tpu.dma_semaphore, #tpu.memory_space<semaphore_mem>>
      %dma_start3A = arith.constant 0 : i32
      %dma_start3A_349 = tpu.memref_slice %arg2[%add3A_163, %dma_start3A] : memref<64x4096xf32, #tpu.memory_space<hbm>> -> memref<1x4096xf32, #tpu.memory_space<hbm>>
      %dma_start3A_350 = tpu.memref_squeeze %dma_start3A_349 : memref<1x4096xf32, #tpu.memory_space<hbm>> -> memref<4096xf32, #tpu.memory_space<hbm>>
      %dma_start3A_351 = arith.constant 0 : i32
      %dma_start3A_352 = tpu.memref_slice %arg2[%add3A_163, %dma_start3A_351] : memref<64x4096xf32, #tpu.memory_space<hbm>> -> memref<1x4096xf32, #tpu.memory_space<hbm>>
      %dma_start3A_353 = tpu.memref_squeeze %dma_start3A_352 : memref<1x4096xf32, #tpu.memory_space<hbm>> -> memref<4096xf32, #tpu.memory_space<hbm>>
      tpu.enqueue_dma source(%dma_start3A_353 : memref<4096xf32, #tpu.memory_space<hbm>>) target(%arg6 : memref<4096xf32, #tpu.memory_space<vmem>>) target_semaphore(%run_scoped3A : memref<!tpu.dma_semaphore, #tpu.memory_space<semaphore_mem>>)
      %dma_wait3A_354 = arith.constant 0 : i32
      %dma_wait3A_355 = tpu.memref_slice %arg2[%add3A_163, %dma_wait3A_354] : memref<64x4096xf32, #tpu.memory_space<hbm>> -> memref<1x4096xf32, #tpu.memory_space<hbm>>
      %dma_wait3A_356 = tpu.memref_squeeze %dma_wait3A_355 : memref<1x4096xf32, #tpu.memory_space<hbm>> -> memref<4096xf32, #tpu.memory_space<hbm>>
      %dma_wait3A_357 = arith.constant 0 : i32
      %dma_wait3A_358 = tpu.memref_slice %arg2[%add3A_163, %dma_wait3A_357] : memref<64x4096xf32, #tpu.memory_space<hbm>> -> memref<1x4096xf32, #tpu.memory_space<hbm>>
      %dma_wait3A_359 = tpu.memref_squeeze %dma_wait3A_358 : memref<1x4096xf32, #tpu.memory_space<hbm>> -> memref<4096xf32, #tpu.memory_space<hbm>>
      tpu.wait_dma2 semaphore(%run_scoped3A : memref<!tpu.dma_semaphore, #tpu.memory_space<semaphore_mem>>) src(%dma_wait3A_359 : memref<4096xf32, #tpu.memory_space<hbm>>) dst(%arg6 : memref<4096xf32, #tpu.memory_space<vmem>>)
      tpu.yield
    }) : () -> ()
    %scan3A_164 = arith.constant 0 : i32
    %scan3A_165 = arith.constant 256 : i32
    %scan3A_166 = arith.addi %scan3A_164, %scan3A_165 : i32
    %scan3A_167 = arith.constant 1 : i32
    %scan3A_168 = scf.for %scan3A_349 = %scan3A_164 to %scan3A_166 step %scan3A_167 iter_args(%scan3A_350 = %broadcast_in_dim3A_1) -> (vector<16xf32>)  : i32 {
      %mul3A_351 = arith.constant 16 : i32
      %mul3A_352 = arith.muli %scan3A_349, %mul3A_351 : i32
      %get3A = arith.index_cast %mul3A_352 : i32 to index
      %get3A_353 = tpu.vector_load %arg6[%get3A] {strides = array<i32>} : memref<4096xf32, #tpu.memory_space<vmem>>, vector<16xf32>,
      %add3A_354 = arith.addf %scan3A_350, %get3A_353 : vector<16xf32>
      scf.yield %add3A_354 : vector<16xf32>
    }
    %scan3A_169 = arith.constant 256 : i32
    %slice3A_170 = vector.extract_strided_slice %scan3A_168 {offsets = [0], sizes = [1], strides = [1]} : vector<16xf32> to vector<1xf32>
    %squeeze3A_171 = vector.extract %slice3A_170[0] : f32 from vector<1xf32>
    %slice3A_172 = vector.extract_strided_slice %scan3A_168 {offsets = [1], sizes = [1], strides = [1]} : vector<16xf32> to vector<1xf32>
    %squeeze3A_173 = vector.extract %slice3A_172[0] : f32 from vector<1xf32>
    %add3A_174 = arith.addf %squeeze3A_171, %squeeze3A_173 : f32
    %slice3A_175 = vector.extract_strided_slice %scan3A_168 {offsets = [2], sizes = [1], strides = [1]} : vector<16xf32> to vector<1xf32>
    %squeeze3A_176 = vector.extract %slice3A_175[0] : f32 from vector<1xf32>
    %add3A_177 = arith.addf %add3A_174, %squeeze3A_176 : f32
    %slice3A_178 = vector.extract_strided_slice %scan3A_168 {offsets = [3], sizes = [1], strides = [1]} : vector<16xf32> to vector<1xf32>
    %squeeze3A_179 = vector.extract %slice3A_178[0] : f32 from vector<1xf32>
    %add3A_180 = arith.addf %add3A_177, %squeeze3A_179 : f32
    %slice3A_181 = vector.extract_strided_slice %scan3A_168 {offsets = [4], sizes = [1], strides = [1]} : vector<16xf32> to vector<1xf32>
    %squeeze3A_182 = vector.extract %slice3A_181[0] : f32 from vector<1xf32>
    %add3A_183 = arith.addf %add3A_180, %squeeze3A_182 : f32
    %slice3A_184 = vector.extract_strided_slice %scan3A_168 {offsets = [5], sizes = [1], strides = [1]} : vector<16xf32> to vector<1xf32>
    %squeeze3A_185 = vector.extract %slice3A_184[0] : f32 from vector<1xf32>
    %add3A_186 = arith.addf %add3A_183, %squeeze3A_185 : f32
    %slice3A_187 = vector.extract_strided_slice %scan3A_168 {offsets = [6], sizes = [1], strides = [1]} : vector<16xf32> to vector<1xf32>
    %squeeze3A_188 = vector.extract %slice3A_187[0] : f32 from vector<1xf32>
    %add3A_189 = arith.addf %add3A_186, %squeeze3A_188 : f32
    %slice3A_190 = vector.extract_strided_slice %scan3A_168 {offsets = [7], sizes = [1], strides = [1]} : vector<16xf32> to vector<1xf32>
    %squeeze3A_191 = vector.extract %slice3A_190[0] : f32 from vector<1xf32>
    %add3A_192 = arith.addf %add3A_189, %squeeze3A_191 : f32
    %slice3A_193 = vector.extract_strided_slice %scan3A_168 {offsets = [8], sizes = [1], strides = [1]} : vector<16xf32> to vector<1xf32>
    %squeeze3A_194 = vector.extract %slice3A_193[0] : f32 from vector<1xf32>
    %add3A_195 = arith.addf %add3A_192, %squeeze3A_194 : f32
    %slice3A_196 = vector.extract_strided_slice %scan3A_168 {offsets = [9], sizes = [1], strides = [1]} : vector<16xf32> to vector<1xf32>
    %squeeze3A_197 = vector.extract %slice3A_196[0] : f32 from vector<1xf32>
    %add3A_198 = arith.addf %add3A_195, %squeeze3A_197 : f32
    %slice3A_199 = vector.extract_strided_slice %scan3A_168 {offsets = [10], sizes = [1], strides = [1]} : vector<16xf32> to vector<1xf32>
    %squeeze3A_200 = vector.extract %slice3A_199[0] : f32 from vector<1xf32>
    %add3A_201 = arith.addf %add3A_198, %squeeze3A_200 : f32
    %slice3A_202 = vector.extract_strided_slice %scan3A_168 {offsets = [11], sizes = [1], strides = [1]} : vector<16xf32> to vector<1xf32>
    %squeeze3A_203 = vector.extract %slice3A_202[0] : f32 from vector<1xf32>
    %add3A_204 = arith.addf %add3A_201, %squeeze3A_203 : f32
    %slice3A_205 = vector.extract_strided_slice %scan3A_168 {offsets = [12], sizes = [1], strides = [1]} : vector<16xf32> to vector<1xf32>
    %squeeze3A_206 = vector.extract %slice3A_205[0] : f32 from vector<1xf32>
    %add3A_207 = arith.addf %add3A_204, %squeeze3A_206 : f32
    %slice3A_208 = vector.extract_strided_slice %scan3A_168 {offsets = [13], sizes = [1], strides = [1]} : vector<16xf32> to vector<1xf32>
    %squeeze3A_209 = vector.extract %slice3A_208[0] : f32 from vector<1xf32>
    %add3A_210 = arith.addf %add3A_207, %squeeze3A_209 : f32
    %slice3A_211 = vector.extract_strided_slice %scan3A_168 {offsets = [14], sizes = [1], strides = [1]} : vector<16xf32> to vector<1xf32>
    %squeeze3A_212 = vector.extract %slice3A_211[0] : f32 from vector<1xf32>
    %add3A_213 = arith.addf %add3A_210, %squeeze3A_212 : f32
    %slice3A_214 = vector.extract_strided_slice %scan3A_168 {offsets = [15], sizes = [1], strides = [1]} : vector<16xf32> to vector<1xf32>
    %squeeze3A_215 = vector.extract %slice3A_214[0] : f32 from vector<1xf32>
    %add3A_216 = arith.addf %add3A_213, %squeeze3A_215 : f32
    %mul3A_217 = arith.constant 2.44140625E-4 : f32
    %mul3A_218 = arith.mulf %add3A_216, %mul3A_217 : f32
    %broadcast_in_dim3A_219 = vector.broadcast %mul3A_218 : f32 to vector<16xf32>
    %scan3A_220 = arith.constant 0 : i32
    %scan3A_221 = arith.constant 256 : i32
    %scan3A_222 = arith.addi %scan3A_220, %scan3A_221 : i32
    %scan3A_223 = arith.constant 1 : i32
    %scan3A_224 = scf.for %scan3A_349 = %scan3A_220 to %scan3A_222 step %scan3A_223 iter_args(%scan3A_350 = %broadcast_in_dim3A_1) -> (vector<16xf32>)  : i32 {
      %mul3A_351 = arith.constant 16 : i32
      %mul3A_352 = arith.muli %scan3A_349, %mul3A_351 : i32
      %get3A = arith.index_cast %mul3A_352 : i32 to index
      %get3A_353 = tpu.vector_load %arg6[%get3A] {strides = array<i32>} : memref<4096xf32, #tpu.memory_space<vmem>>, vector<16xf32>,
      %sub3A_354 = arith.subf %get3A_353, %broadcast_in_dim3A_219 : vector<16xf32>
      %mul3A_355 = arith.mulf %sub3A_354, %sub3A_354 : vector<16xf32>
      %add3A_356 = arith.addf %scan3A_350, %mul3A_355 : vector<16xf32>
      scf.yield %add3A_356 : vector<16xf32>
    }
    %scan3A_225 = arith.constant 256 : i32
    %slice3A_226 = vector.extract_strided_slice %scan3A_224 {offsets = [0], sizes = [1], strides = [1]} : vector<16xf32> to vector<1xf32>
    %squeeze3A_227 = vector.extract %slice3A_226[0] : f32 from vector<1xf32>
    %slice3A_228 = vector.extract_strided_slice %scan3A_224 {offsets = [1], sizes = [1], strides = [1]} : vector<16xf32> to vector<1xf32>
    %squeeze3A_229 = vector.extract %slice3A_228[0] : f32 from vector<1xf32>
    %add3A_230 = arith.addf %squeeze3A_227, %squeeze3A_229 : f32
    %slice3A_231 = vector.extract_strided_slice %scan3A_224 {offsets = [2], sizes = [1], strides = [1]} : vector<16xf32> to vector<1xf32>
    %squeeze3A_232 = vector.extract %slice3A_231[0] : f32 from vector<1xf32>
    %add3A_233 = arith.addf %add3A_230, %squeeze3A_232 : f32
    %slice3A_234 = vector.extract_strided_slice %scan3A_224 {offsets = [3], sizes = [1], strides = [1]} : vector<16xf32> to vector<1xf32>
    %squeeze3A_235 = vector.extract %slice3A_234[0] : f32 from vector<1xf32>
    %add3A_236 = arith.addf %add3A_233, %squeeze3A_235 : f32
    %slice3A_237 = vector.extract_strided_slice %scan3A_224 {offsets = [4], sizes = [1], strides = [1]} : vector<16xf32> to vector<1xf32>
    %squeeze3A_238 = vector.extract %slice3A_237[0] : f32 from vector<1xf32>
    %add3A_239 = arith.addf %add3A_236, %squeeze3A_238 : f32
    %slice3A_240 = vector.extract_strided_slice %scan3A_224 {offsets = [5], sizes = [1], strides = [1]} : vector<16xf32> to vector<1xf32>
    %squeeze3A_241 = vector.extract %slice3A_240[0] : f32 from vector<1xf32>
    %add3A_242 = arith.addf %add3A_239, %squeeze3A_241 : f32
    %slice3A_243 = vector.extract_strided_slice %scan3A_224 {offsets = [6], sizes = [1], strides = [1]} : vector<16xf32> to vector<1xf32>
    %squeeze3A_244 = vector.extract %slice3A_243[0] : f32 from vector<1xf32>
    %add3A_245 = arith.addf %add3A_242, %squeeze3A_244 : f32
    %slice3A_246 = vector.extract_strided_slice %scan3A_224 {offsets = [7], sizes = [1], strides = [1]} : vector<16xf32> to vector<1xf32>
    %squeeze3A_247 = vector.extract %slice3A_246[0] : f32 from vector<1xf32>
    %add3A_248 = arith.addf %add3A_245, %squeeze3A_247 : f32
    %slice3A_249 = vector.extract_strided_slice %scan3A_224 {offsets = [8], sizes = [1], strides = [1]} : vector<16xf32> to vector<1xf32>
    %squeeze3A_250 = vector.extract %slice3A_249[0] : f32 from vector<1xf32>
    %add3A_251 = arith.addf %add3A_248, %squeeze3A_250 : f32
    %slice3A_252 = vector.extract_strided_slice %scan3A_224 {offsets = [9], sizes = [1], strides = [1]} : vector<16xf32> to vector<1xf32>
    %squeeze3A_253 = vector.extract %slice3A_252[0] : f32 from vector<1xf32>
    %add3A_254 = arith.addf %add3A_251, %squeeze3A_253 : f32
    %slice3A_255 = vector.extract_strided_slice %scan3A_224 {offsets = [10], sizes = [1], strides = [1]} : vector<16xf32> to vector<1xf32>
    %squeeze3A_256 = vector.extract %slice3A_255[0] : f32 from vector<1xf32>
    %add3A_257 = arith.addf %add3A_254, %squeeze3A_256 : f32
    %slice3A_258 = vector.extract_strided_slice %scan3A_224 {offsets = [11], sizes = [1], strides = [1]} : vector<16xf32> to vector<1xf32>
    %squeeze3A_259 = vector.extract %slice3A_258[0] : f32 from vector<1xf32>
    %add3A_260 = arith.addf %add3A_257, %squeeze3A_259 : f32
    %slice3A_261 = vector.extract_strided_slice %scan3A_224 {offsets = [12], sizes = [1], strides = [1]} : vector<16xf32> to vector<1xf32>
    %squeeze3A_262 = vector.extract %slice3A_261[0] : f32 from vector<1xf32>
    %add3A_263 = arith.addf %add3A_260, %squeeze3A_262 : f32
    %slice3A_264 = vector.extract_strided_slice %scan3A_224 {offsets = [13], sizes = [1], strides = [1]} : vector<16xf32> to vector<1xf32>
    %squeeze3A_265 = vector.extract %slice3A_264[0] : f32 from vector<1xf32>
    %add3A_266 = arith.addf %add3A_263, %squeeze3A_265 : f32
    %slice3A_267 = vector.extract_strided_slice %scan3A_224 {offsets = [14], sizes = [1], strides = [1]} : vector<16xf32> to vector<1xf32>
    %squeeze3A_268 = vector.extract %slice3A_267[0] : f32 from vector<1xf32>
    %add3A_269 = arith.addf %add3A_266, %squeeze3A_268 : f32
    %slice3A_270 = vector.extract_strided_slice %scan3A_224 {offsets = [15], sizes = [1], strides = [1]} : vector<16xf32> to vector<1xf32>
    %squeeze3A_271 = vector.extract %slice3A_270[0] : f32 from vector<1xf32>
    %add3A_272 = arith.addf %add3A_269, %squeeze3A_271 : f32
    %mul3A_273 = arith.constant 2.44200259E-4 : f32
    %mul3A_274 = arith.mulf %add3A_272, %mul3A_273 : f32
    %broadcast_in_dim3A_275 = vector.broadcast %mul3A_274 : f32 to vector<16xf32>
    %bitcast_convert_type3A_276 = tpu.bitcast %broadcast_in_dim3A_275 : vector<16xf32> -> vector<16xi32>
    %shift_right_logical3A_277 = arith.constant 1 : i32
    %shift_right_logical3A_278 = vector.broadcast %shift_right_logical3A_277 : i32 to vector<16xi32>
    %shift_right_logical3A_279 = arith.shrui %bitcast_convert_type3A_276, %shift_right_logical3A_278 : vector<16xi32>
    %sub3A_280 = arith.constant 1597463007 : i32
    %sub3A_281 = vector.broadcast %sub3A_280 : i32 to vector<16xi32>
    %sub3A_282 = arith.subi %sub3A_281, %shift_right_logical3A_279 : vector<16xi32>
    %bitcast_convert_type3A_283 = tpu.bitcast %sub3A_282 : vector<16xi32> -> vector<16xf32>
    %mul3A_284 = arith.constant 5.000000e-01 : f32
    %mul3A_285 = vector.broadcast %mul3A_284 : f32 to vector<16xf32>
    %mul3A_286 = arith.mulf %mul3A_285, %broadcast_in_dim3A_275 : vector<16xf32>
    %mul3A_287 = arith.mulf %mul3A_286, %bitcast_convert_type3A_283 : vector<16xf32>
    %mul3A_288 = arith.mulf %mul3A_287, %bitcast_convert_type3A_283 : vector<16xf32>
    %sub3A_289 = arith.constant 1.500000e+00 : f32
    %sub3A_290 = vector.broadcast %sub3A_289 : f32 to vector<16xf32>
    %sub3A_291 = arith.subf %sub3A_290, %mul3A_288 : vector<16xf32>
    %mul3A_292 = arith.mulf %bitcast_convert_type3A_283, %sub3A_291 : vector<16xf32>
    %mul3A_293 = arith.constant 5.000000e-01 : f32
    %mul3A_294 = vector.broadcast %mul3A_293 : f32 to vector<16xf32>
    %mul3A_295 = arith.mulf %mul3A_294, %broadcast_in_dim3A_275 : vector<16xf32>
    %mul3A_296 = arith.mulf %mul3A_295, %mul3A_292 : vector<16xf32>
    %mul3A_297 = arith.mulf %mul3A_296, %mul3A_292 : vector<16xf32>
    %sub3A_298 = arith.constant 1.500000e+00 : f32
    %sub3A_299 = vector.broadcast %sub3A_298 : f32 to vector<16xf32>
    %sub3A_300 = arith.subf %sub3A_299, %mul3A_297 : vector<16xf32>
    %mul3A_301 = arith.mulf %mul3A_292, %sub3A_300 : vector<16xf32>
    %mul3A_302 = arith.constant 5.000000e-01 : f32
    %mul3A_303 = vector.broadcast %mul3A_302 : f32 to vector<16xf32>
    %mul3A_304 = arith.mulf %mul3A_303, %broadcast_in_dim3A_275 : vector<16xf32>
    %mul3A_305 = arith.mulf %mul3A_304, %mul3A_301 : vector<16xf32>
    %mul3A_306 = arith.mulf %mul3A_305, %mul3A_301 : vector<16xf32>
    %sub3A_307 = arith.constant 1.500000e+00 : f32
    %sub3A_308 = vector.broadcast %sub3A_307 : f32 to vector<16xf32>
    %sub3A_309 = arith.subf %sub3A_308, %mul3A_306 : vector<16xf32>
    %mul3A_310 = arith.mulf %mul3A_301, %sub3A_309 : vector<16xf32>
    %mul3A_311 = arith.mulf %broadcast_in_dim3A_275, %mul3A_310 : vector<16xf32>
    %add3A_312 = arith.constant 9.99999993E-9 : f32
    %add3A_313 = vector.broadcast %add3A_312 : f32 to vector<16xf32>
    %add3A_314 = arith.addf %mul3A_311, %add3A_313 : vector<16xf32>
    %div3A_315 = arith.constant 1.000000e+00 : f32
    %div3A_316 = vector.broadcast %div3A_315 : f32 to vector<16xf32>
    %div3A_317 = arith.divf %div3A_316, %add3A_314 : vector<16xf32>
    %scan3A_318 = arith.constant 0 : i32
    %scan3A_319 = arith.constant 0 : i32
    %scan3A_320 = arith.constant 256 : i32
    %scan3A_321 = arith.addi %scan3A_319, %scan3A_320 : i32
    %scan3A_322 = arith.constant 1 : i32
    %scan3A_323 = scf.for %scan3A_349 = %scan3A_319 to %scan3A_321 step %scan3A_322 iter_args(%scan3A_350 = %scan3A_318) -> (i32)  : i32 {
      %mul3A_351 = arith.constant 16 : i32
      %mul3A_352 = arith.muli %scan3A_349, %mul3A_351 : i32
      %get3A = arith.index_cast %mul3A_352 : i32 to index
      %get3A_353 = tpu.vector_load %arg6[%get3A] {strides = array<i32>} : memref<4096xf32, #tpu.memory_space<vmem>>, vector<16xf32>,
      %sub3A_354 = arith.subf %get3A_353, %broadcast_in_dim3A_219 : vector<16xf32>
      %mul3A_355 = arith.mulf %sub3A_354, %div3A_317 : vector<16xf32>
      %jit3A = arith.constant -3.500000e+00 : f32
      %jit3A_356 = arith.constant 3.500000e+00 : f32
      %max3A = vector.broadcast %jit3A : f32 to vector<16xf32>
      %max3A_357 = arith.maximumf %max3A, %mul3A_355 : vector<16xf32>
      %min3A = vector.broadcast %jit3A_356 : f32 to vector<16xf32>
      %min3A_358 = arith.minimumf %min3A, %max3A_357 : vector<16xf32>
      %add3A_359 = arith.constant 3.500000e+00 : f32
      %add3A_360 = vector.broadcast %add3A_359 : f32 to vector<16xf32>
      %add3A_361 = arith.addf %min3A_358, %add3A_360 : vector<16xf32>
      %div3A_362 = arith.constant 7.000000e+00 : f32
      %div3A_363 = vector.broadcast %div3A_362 : f32 to vector<16xf32>
      %div3A_364 = arith.divf %add3A_361, %div3A_363 : vector<16xf32>
      %mul3A_365 = arith.constant 1.280000e+02 : f32
      %mul3A_366 = vector.broadcast %mul3A_365 : f32 to vector<16xf32>
      %mul3A_367 = arith.mulf %div3A_364, %mul3A_366 : vector<16xf32>
      %convert_element_type3A = arith.fptosi %mul3A_367 : vector<16xf32> to vector<16xi32>
      %jit3A_368 = arith.constant 0 : i32
      %jit3A_369 = arith.constant 127 : i32
      %max3A_370 = vector.broadcast %jit3A_368 : i32 to vector<16xi32>
      %max3A_371 = arith.maxsi %max3A_370, %convert_element_type3A : vector<16xi32>
      %min3A_372 = vector.broadcast %jit3A_369 : i32 to vector<16xi32>
      %min3A_373 = arith.minsi %min3A_372, %max3A_371 : vector<16xi32>
      %mul3A_374 = arith.constant 16 : i32
      %mul3A_375 = arith.muli %scan3A_349, %mul3A_374 : i32
      %add3A_376 = arith.constant 4096 : i32
      %add3A_377 = arith.addi %add3A_376, %mul3A_375 : i32
      %swap3A = arith.index_cast %add3A_377 : i32 to index
      %swap3A_378 = tpu.vector_load %arg7[%swap3A] {strides = array<i32>} : memref<8192xi32, #tpu.memory_space<vmem>>, vector<16xi32>,
      tpu.vector_store %arg7[%swap3A], %min3A_373 {strides = array<i32>} : memref<8192xi32, #tpu.memory_space<vmem>>, vector<16xi32>,
      %scan3A_379 = arith.constant 0 : i32
      scf.yield %scan3A_379 : i32
    }
    %scan3A_324 = arith.constant 256 : i32
    %scan3A_325 = arith.constant 0 : i32
    %scan3A_326 = arith.constant 16 : i32
    %scan3A_327 = arith.addi %scan3A_325, %scan3A_326 : i32
    %scan3A_328 = arith.constant 1 : i32
    scf.for %scan3A_349 = %scan3A_325 to %scan3A_327 step %scan3A_328  : i32 {
      %mul3A_350 = arith.constant 2 : i32
      %mul3A_351 = arith.muli %scan3A_349, %mul3A_350 : i32
      %add3A_352 = arith.constant 0 : i32
      %add3A_353 = arith.addi %add3A_352, %mul3A_351 : i32
      %add3A_354 = arith.constant 0 : i32
      %add3A_355 = arith.addi %add3A_353, %add3A_354 : i32
      %jit3A = arith.constant 16 : i32
      %div3A_356 = arith.divsi %add3A_355, %jit3A : i32
      %sign3A = arith.constant 0 : i32
      %sign3A_357 = arith.cmpi sgt, %add3A_355, %sign3A : i32
      %sign3A_358 = arith.extui %sign3A_357 : i1 to i32
      %sign3A_359 = arith.constant 0 : i32
      %sign3A_360 = arith.cmpi slt, %add3A_355, %sign3A_359 : i32
      %sign3A_361 = arith.extui %sign3A_360 : i1 to i32
      %sign3A_362 = arith.subi %sign3A_358, %sign3A_361 : i32
      %sign3A_363 = arith.constant 0 : i32
      %sign3A_364 = arith.cmpi sgt, %jit3A, %sign3A_363 : i32
      %sign3A_365 = arith.extui %sign3A_364 : i1 to i32
      %sign3A_366 = arith.constant 0 : i32
      %sign3A_367 = arith.cmpi slt, %jit3A, %sign3A_366 : i32
      %sign3A_368 = arith.extui %sign3A_367 : i1 to i32
      %sign3A_369 = arith.subi %sign3A_365, %sign3A_368 : i32
      %ne3A = arith.cmpi ne, %sign3A_362, %sign3A_369 : i32
      %rem3A = arith.remsi %add3A_355, %jit3A : i32
      %ne3A_370 = arith.constant 0 : i32
      %ne3A_371 = arith.cmpi ne, %rem3A, %ne3A_370 : i32
      %and3A = arith.andi %ne3A, %ne3A_371 : i1
      %sub3A_372 = arith.constant 1 : i32
      %sub3A_373 = arith.subi %div3A_356, %sub3A_372 : i32
      %select_n3A = arith.select %and3A, %sub3A_373, %div3A_356 : i32
      %mul3A_374 = arith.constant 2 : i32
      %mul3A_375 = arith.muli %add3A, %mul3A_374 : i32
      %add3A_376 = arith.addi %mul3A_375, %select_n3A : i32
      %jit3A_377 = arith.constant 16 : i32
      %eq3A = arith.constant 0 : i32
      %eq3A_378 = arith.cmpi eq, %jit3A_377, %eq3A : i32
      %jit3A_379 = arith.constant 1 : i32
      %select_n3A_380 = arith.select %eq3A_378, %jit3A_379, %jit3A_377 : i32
      %rem3A_381 = arith.remsi %add3A_355, %select_n3A_380 : i32
      %ne3A_382 = arith.constant 0 : i32
      %ne3A_383 = arith.cmpi ne, %rem3A_381, %ne3A_382 : i32
      %lt3A = arith.constant 0 : i32
      %lt3A_384 = arith.cmpi slt, %rem3A_381, %lt3A : i32
      %lt3A_385 = arith.constant 0 : i32
      %lt3A_386 = arith.cmpi slt, %select_n3A_380, %lt3A_385 : i32
      %ne3A_387 = arith.xori %lt3A_384, %lt3A_386 : i1
      %and3A_388 = arith.andi %ne3A_387, %ne3A_383 : i1
      %add3A_389 = arith.addi %rem3A_381, %select_n3A_380 : i32
      %select_n3A_390 = arith.select %and3A_388, %add3A_389, %rem3A_381 : i32
      %mul3A_391 = arith.constant 256 : i32
      %mul3A_392 = arith.muli %select_n3A_390, %mul3A_391 : i32
      %ge3A = arith.constant 2 : i32
      %ge3A_393 = arith.cmpi sge, %add3A_355, %ge3A : i32
      %convert_element_type3A = arith.extui %ge3A_393 : i1 to i32
      %cond3A = arith.constant 0 : i32
      %cond3A_394 = arith.cmpi ne, %convert_element_type3A, %cond3A : i32
      scf.if %cond3A_394 {
        %dma_wait3A_688 = arith.constant 0 : i32
        %dma_wait3A_689 = tpu.memref_slice %arg4[%add3A_376, %dma_wait3A_688, %mul3A_392] : memref<64x128x4096xf32, #tpu.memory_space<hbm>> -> memref<1x128x256xf32, #tpu.memory_space<hbm>>
        %dma_wait3A_690 = tpu.memref_squeeze %dma_wait3A_689 : memref<1x128x256xf32, #tpu.memory_space<hbm>> -> memref<128x256xf32, #tpu.memory_space<hbm>>
        %dma_wait3A_691 = arith.constant 0 : i32
        %dma_wait3A_692 = tpu.memref_slice %arg4[%add3A_376, %dma_wait3A_691, %mul3A_392] : memref<64x128x4096xf32, #tpu.memory_space<hbm>> -> memref<1x128x256xf32, #tpu.memory_space<hbm>>
        %dma_wait3A_693 = tpu.memref_squeeze %dma_wait3A_692 : memref<1x128x256xf32, #tpu.memory_space<hbm>> -> memref<128x256xf32, #tpu.memory_space<hbm>>
        tpu.wait_dma2 semaphore(%arg11 : memref<!tpu.dma_semaphore, #tpu.memory_space<semaphore_mem>>) src(%arg9 : memref<128x256xf32, #tpu.memory_space<vmem>>) dst(%dma_wait3A_693 : memref<128x256xf32, #tpu.memory_space<hbm>>)
      } else {
      }
      %mul3A_395 = arith.constant 4096 : i32
      %mul3A_396 = arith.muli %select_n3A, %mul3A_395 : i32
      %add3A_397 = arith.addi %mul3A_396, %mul3A_392 : i32
      %add3A_398 = arith.constant 0 : i32
      %add3A_399 = arith.addi %add3A_397, %add3A_398 : i32
      %get3A = arith.index_cast %add3A_399 : i32 to index
      %get3A_400 = tpu.vector_load %arg7[%get3A] {strides = array<i32>} : memref<8192xi32, #tpu.memory_space<vmem>>, vector<16xi32>,
      %mul3A_401 = arith.constant 4096 : i32
      %mul3A_402 = arith.muli %select_n3A, %mul3A_401 : i32
      %add3A_403 = arith.addi %mul3A_402, %mul3A_392 : i32
      %add3A_404 = arith.constant 16 : i32
      %add3A_405 = arith.addi %add3A_403, %add3A_404 : i32
      %get3A_406 = arith.index_cast %add3A_405 : i32 to index
      %get3A_407 = tpu.vector_load %arg7[%get3A_406] {strides = array<i32>} : memref<8192xi32, #tpu.memory_space<vmem>>, vector<16xi32>,
      %mul3A_408 = arith.constant 4096 : i32
      %mul3A_409 = arith.muli %select_n3A, %mul3A_408 : i32
      %add3A_410 = arith.addi %mul3A_409, %mul3A_392 : i32
      %add3A_411 = arith.constant 32 : i32
      %add3A_412 = arith.addi %add3A_410, %add3A_411 : i32
      %get3A_413 = arith.index_cast %add3A_412 : i32 to index
      %get3A_414 = tpu.vector_load %arg7[%get3A_413] {strides = array<i32>} : memref<8192xi32, #tpu.memory_space<vmem>>, vector<16xi32>,
      %mul3A_415 = arith.constant 4096 : i32
      %mul3A_416 = arith.muli %select_n3A, %mul3A_415 : i32
      %add3A_417 = arith.addi %mul3A_416, %mul3A_392 : i32
      %add3A_418 = arith.constant 48 : i32
      %add3A_419 = arith.addi %add3A_417, %add3A_418 : i32
      %get3A_420 = arith.index_cast %add3A_419 : i32 to index
      %get3A_421 = tpu.vector_load %arg7[%get3A_420] {strides = array<i32>} : memref<8192xi32, #tpu.memory_space<vmem>>, vector<16xi32>,
      %mul3A_422 = arith.constant 4096 : i32
      %mul3A_423 = arith.muli %select_n3A, %mul3A_422 : i32
      %add3A_424 = arith.addi %mul3A_423, %mul3A_392 : i32
      %add3A_425 = arith.constant 64 : i32
      %add3A_426 = arith.addi %add3A_424, %add3A_425 : i32
      %get3A_427 = arith.index_cast %add3A_426 : i32 to index
      %get3A_428 = tpu.vector_load %arg7[%get3A_427] {strides = array<i32>} : memref<8192xi32, #tpu.memory_space<vmem>>, vector<16xi32>,
      %mul3A_429 = arith.constant 4096 : i32
      %mul3A_430 = arith.muli %select_n3A, %mul3A_429 : i32
      %add3A_431 = arith.addi %mul3A_430, %mul3A_392 : i32
      %add3A_432 = arith.constant 80 : i32
      %add3A_433 = arith.addi %add3A_431, %add3A_432 : i32
      %get3A_434 = arith.index_cast %add3A_433 : i32 to index
      %get3A_435 = tpu.vector_load %arg7[%get3A_434] {strides = array<i32>} : memref<8192xi32, #tpu.memory_space<vmem>>, vector<16xi32>,
      %mul3A_436 = arith.constant 4096 : i32
      %mul3A_437 = arith.muli %select_n3A, %mul3A_436 : i32
      %add3A_438 = arith.addi %mul3A_437, %mul3A_392 : i32
      %add3A_439 = arith.constant 96 : i32
      %add3A_440 = arith.addi %add3A_438, %add3A_439 : i32
      %get3A_441 = arith.index_cast %add3A_440 : i32 to index
      %get3A_442 = tpu.vector_load %arg7[%get3A_441] {strides = array<i32>} : memref<8192xi32, #tpu.memory_space<vmem>>, vector<16xi32>,
      %mul3A_443 = arith.constant 4096 : i32
      %mul3A_444 = arith.muli %select_n3A, %mul3A_443 : i32
      %add3A_445 = arith.addi %mul3A_444, %mul3A_392 : i32
      %add3A_446 = arith.constant 112 : i32
      %add3A_447 = arith.addi %add3A_445, %add3A_446 : i32
      %get3A_448 = arith.index_cast %add3A_447 : i32 to index
      %get3A_449 = tpu.vector_load %arg7[%get3A_448] {strides = array<i32>} : memref<8192xi32, #tpu.memory_space<vmem>>, vector<16xi32>,
      %mul3A_450 = arith.constant 4096 : i32
      %mul3A_451 = arith.muli %select_n3A, %mul3A_450 : i32
      %add3A_452 = arith.addi %mul3A_451, %mul3A_392 : i32
      %add3A_453 = arith.constant 128 : i32
      %add3A_454 = arith.addi %add3A_452, %add3A_453 : i32
      %get3A_455 = arith.index_cast %add3A_454 : i32 to index
      %get3A_456 = tpu.vector_load %arg7[%get3A_455] {strides = array<i32>} : memref<8192xi32, #tpu.memory_space<vmem>>, vector<16xi32>,
      %mul3A_457 = arith.constant 4096 : i32
      %mul3A_458 = arith.muli %select_n3A, %mul3A_457 : i32
      %add3A_459 = arith.addi %mul3A_458, %mul3A_392 : i32
      %add3A_460 = arith.constant 144 : i32
      %add3A_461 = arith.addi %add3A_459, %add3A_460 : i32
      %get3A_462 = arith.index_cast %add3A_461 : i32 to index
      %get3A_463 = tpu.vector_load %arg7[%get3A_462] {strides = array<i32>} : memref<8192xi32, #tpu.memory_space<vmem>>, vector<16xi32>,
      %mul3A_464 = arith.constant 4096 : i32
      %mul3A_465 = arith.muli %select_n3A, %mul3A_464 : i32
      %add3A_466 = arith.addi %mul3A_465, %mul3A_392 : i32
      %add3A_467 = arith.constant 160 : i32
      %add3A_468 = arith.addi %add3A_466, %add3A_467 : i32
      %get3A_469 = arith.index_cast %add3A_468 : i32 to index
      %get3A_470 = tpu.vector_load %arg7[%get3A_469] {strides = array<i32>} : memref<8192xi32, #tpu.memory_space<vmem>>, vector<16xi32>,
      %mul3A_471 = arith.constant 4096 : i32
      %mul3A_472 = arith.muli %select_n3A, %mul3A_471 : i32
      %add3A_473 = arith.addi %mul3A_472, %mul3A_392 : i32
      %add3A_474 = arith.constant 176 : i32
      %add3A_475 = arith.addi %add3A_473, %add3A_474 : i32
      %get3A_476 = arith.index_cast %add3A_475 : i32 to index
      %get3A_477 = tpu.vector_load %arg7[%get3A_476] {strides = array<i32>} : memref<8192xi32, #tpu.memory_space<vmem>>, vector<16xi32>,
      %mul3A_478 = arith.constant 4096 : i32
      %mul3A_479 = arith.muli %select_n3A, %mul3A_478 : i32
      %add3A_480 = arith.addi %mul3A_479, %mul3A_392 : i32
      %add3A_481 = arith.constant 192 : i32
      %add3A_482 = arith.addi %add3A_480, %add3A_481 : i32
      %get3A_483 = arith.index_cast %add3A_482 : i32 to index
      %get3A_484 = tpu.vector_load %arg7[%get3A_483] {strides = array<i32>} : memref<8192xi32, #tpu.memory_space<vmem>>, vector<16xi32>,
      %mul3A_485 = arith.constant 4096 : i32
      %mul3A_486 = arith.muli %select_n3A, %mul3A_485 : i32
      %add3A_487 = arith.addi %mul3A_486, %mul3A_392 : i32
      %add3A_488 = arith.constant 208 : i32
      %add3A_489 = arith.addi %add3A_487, %add3A_488 : i32
      %get3A_490 = arith.index_cast %add3A_489 : i32 to index
      %get3A_491 = tpu.vector_load %arg7[%get3A_490] {strides = array<i32>} : memref<8192xi32, #tpu.memory_space<vmem>>, vector<16xi32>,
      %mul3A_492 = arith.constant 4096 : i32
      %mul3A_493 = arith.muli %select_n3A, %mul3A_492 : i32
      %add3A_494 = arith.addi %mul3A_493, %mul3A_392 : i32
      %add3A_495 = arith.constant 224 : i32
      %add3A_496 = arith.addi %add3A_494, %add3A_495 : i32
      %get3A_497 = arith.index_cast %add3A_496 : i32 to index
      %get3A_498 = tpu.vector_load %arg7[%get3A_497] {strides = array<i32>} : memref<8192xi32, #tpu.memory_space<vmem>>, vector<16xi32>,
      %mul3A_499 = arith.constant 4096 : i32
      %mul3A_500 = arith.muli %select_n3A, %mul3A_499 : i32
      %add3A_501 = arith.addi %mul3A_500, %mul3A_392 : i32
      %add3A_502 = arith.constant 240 : i32
      %add3A_503 = arith.addi %add3A_501, %add3A_502 : i32
      %get3A_504 = arith.index_cast %add3A_503 : i32 to index
      %get3A_505 = tpu.vector_load %arg7[%get3A_504] {strides = array<i32>} : memref<8192xi32, #tpu.memory_space<vmem>>, vector<16xi32>,
      %parallel_loop3A = arith.constant 0 : i32
      %parallel_loop3A_506 = arith.constant 128 : i32
      %parallel_loop3A_507 = arith.constant 1 : i32
      %parallel_loop3A_508:16 = scf.for %parallel_loop3A_688 = %parallel_loop3A to %parallel_loop3A_506 step %parallel_loop3A_507 iter_args(%parallel_loop3A_689 = %get3A_400, %parallel_loop3A_690 = %get3A_407, %parallel_loop3A_691 = %get3A_414, %parallel_loop3A_692 = %get3A_421, %parallel_loop3A_693 = %get3A_428, %parallel_loop3A_694 = %get3A_435, %parallel_loop3A_695 = %get3A_442, %parallel_loop3A_696 = %get3A_449, %parallel_loop3A_697 = %get3A_456, %parallel_loop3A_698 = %get3A_463, %parallel_loop3A_699 = %get3A_470, %parallel_loop3A_700 = %get3A_477, %parallel_loop3A_701 = %get3A_484, %parallel_loop3A_702 = %get3A_491, %parallel_loop3A_703 = %get3A_498, %parallel_loop3A_704 = %get3A_505) -> (vector<16xi32>, vector<16xi32>, vector<16xi32>, vector<16xi32>, vector<16xi32>, vector<16xi32>, vector<16xi32>, vector<16xi32>, vector<16xi32>, vector<16xi32>, vector<16xi32>, vector<16xi32>, vector<16xi32>, vector<16xi32>, vector<16xi32>, vector<16xi32>)  : i32 {
        %parallel_loop3A_705 = tpu.vector_load_idx %arg5[%parallel_loop3A_689] : memref<16384xf32, #tpu.memory_space<vmem>>[vector<16xi32>], vector<16xf32>,
        %parallel_loop3A_706 = arith.index_cast %parallel_loop3A_688 : i32 to index
        %parallel_loop3A_707 = arith.constant 0 : index
        %parallel_loop3A_708 = tpu.vector_load %arg9[%parallel_loop3A_706, %parallel_loop3A_707] {strides = array<i32>} : memref<128x256xf32, #tpu.memory_space<vmem>>, vector<16xf32>,
        tpu.vector_store %arg9[%parallel_loop3A_706, %parallel_loop3A_707], %parallel_loop3A_705 {strides = array<i32>} : memref<128x256xf32, #tpu.memory_space<vmem>>, vector<16xf32>,
        %parallel_loop3A_709 = tpu.vector_load_idx %arg5[%parallel_loop3A_690] : memref<16384xf32, #tpu.memory_space<vmem>>[vector<16xi32>], vector<16xf32>,
        %parallel_loop3A_710 = arith.index_cast %parallel_loop3A_688 : i32 to index
        %parallel_loop3A_711 = arith.constant 16 : index
        %parallel_loop3A_712 = tpu.vector_load %arg9[%parallel_loop3A_710, %parallel_loop3A_711] {strides = array<i32>} : memref<128x256xf32, #tpu.memory_space<vmem>>, vector<16xf32>,
        tpu.vector_store %arg9[%parallel_loop3A_710, %parallel_loop3A_711], %parallel_loop3A_709 {strides = array<i32>} : memref<128x256xf32, #tpu.memory_space<vmem>>, vector<16xf32>,
        %parallel_loop3A_713 = tpu.vector_load_idx %arg5[%parallel_loop3A_691] : memref<16384xf32, #tpu.memory_space<vmem>>[vector<16xi32>], vector<16xf32>,
        %parallel_loop3A_714 = arith.index_cast %parallel_loop3A_688 : i32 to index
        %parallel_loop3A_715 = arith.constant 32 : index
        %parallel_loop3A_716 = tpu.vector_load %arg9[%parallel_loop3A_714, %parallel_loop3A_715] {strides = array<i32>} : memref<128x256xf32, #tpu.memory_space<vmem>>, vector<16xf32>,
        tpu.vector_store %arg9[%parallel_loop3A_714, %parallel_loop3A_715], %parallel_loop3A_713 {strides = array<i32>} : memref<128x256xf32, #tpu.memory_space<vmem>>, vector<16xf32>,
        %parallel_loop3A_717 = tpu.vector_load_idx %arg5[%parallel_loop3A_692] : memref<16384xf32, #tpu.memory_space<vmem>>[vector<16xi32>], vector<16xf32>,
        %parallel_loop3A_718 = arith.index_cast %parallel_loop3A_688 : i32 to index
        %parallel_loop3A_719 = arith.constant 48 : index
        %parallel_loop3A_720 = tpu.vector_load %arg9[%parallel_loop3A_718, %parallel_loop3A_719] {strides = array<i32>} : memref<128x256xf32, #tpu.memory_space<vmem>>, vector<16xf32>,
        tpu.vector_store %arg9[%parallel_loop3A_718, %parallel_loop3A_719], %parallel_loop3A_717 {strides = array<i32>} : memref<128x256xf32, #tpu.memory_space<vmem>>, vector<16xf32>,
        %parallel_loop3A_721 = tpu.vector_load_idx %arg5[%parallel_loop3A_693] : memref<16384xf32, #tpu.memory_space<vmem>>[vector<16xi32>], vector<16xf32>,
        %parallel_loop3A_722 = arith.index_cast %parallel_loop3A_688 : i32 to index
        %parallel_loop3A_723 = arith.constant 64 : index
        %parallel_loop3A_724 = tpu.vector_load %arg9[%parallel_loop3A_722, %parallel_loop3A_723] {strides = array<i32>} : memref<128x256xf32, #tpu.memory_space<vmem>>, vector<16xf32>,
        tpu.vector_store %arg9[%parallel_loop3A_722, %parallel_loop3A_723], %parallel_loop3A_721 {strides = array<i32>} : memref<128x256xf32, #tpu.memory_space<vmem>>, vector<16xf32>,
        %parallel_loop3A_725 = tpu.vector_load_idx %arg5[%parallel_loop3A_694] : memref<16384xf32, #tpu.memory_space<vmem>>[vector<16xi32>], vector<16xf32>,
        %parallel_loop3A_726 = arith.index_cast %parallel_loop3A_688 : i32 to index
        %parallel_loop3A_727 = arith.constant 80 : index
        %parallel_loop3A_728 = tpu.vector_load %arg9[%parallel_loop3A_726, %parallel_loop3A_727] {strides = array<i32>} : memref<128x256xf32, #tpu.memory_space<vmem>>, vector<16xf32>,
        tpu.vector_store %arg9[%parallel_loop3A_726, %parallel_loop3A_727], %parallel_loop3A_725 {strides = array<i32>} : memref<128x256xf32, #tpu.memory_space<vmem>>, vector<16xf32>,
        %parallel_loop3A_729 = tpu.vector_load_idx %arg5[%parallel_loop3A_695] : memref<16384xf32, #tpu.memory_space<vmem>>[vector<16xi32>], vector<16xf32>,
        %parallel_loop3A_730 = arith.index_cast %parallel_loop3A_688 : i32 to index
        %parallel_loop3A_731 = arith.constant 96 : index
        %parallel_loop3A_732 = tpu.vector_load %arg9[%parallel_loop3A_730, %parallel_loop3A_731] {strides = array<i32>} : memref<128x256xf32, #tpu.memory_space<vmem>>, vector<16xf32>,
        tpu.vector_store %arg9[%parallel_loop3A_730, %parallel_loop3A_731], %parallel_loop3A_729 {strides = array<i32>} : memref<128x256xf32, #tpu.memory_space<vmem>>, vector<16xf32>,
        %parallel_loop3A_733 = tpu.vector_load_idx %arg5[%parallel_loop3A_696] : memref<16384xf32, #tpu.memory_space<vmem>>[vector<16xi32>], vector<16xf32>,
        %parallel_loop3A_734 = arith.index_cast %parallel_loop3A_688 : i32 to index
        %parallel_loop3A_735 = arith.constant 112 : index
        %parallel_loop3A_736 = tpu.vector_load %arg9[%parallel_loop3A_734, %parallel_loop3A_735] {strides = array<i32>} : memref<128x256xf32, #tpu.memory_space<vmem>>, vector<16xf32>,
        tpu.vector_store %arg9[%parallel_loop3A_734, %parallel_loop3A_735], %parallel_loop3A_733 {strides = array<i32>} : memref<128x256xf32, #tpu.memory_space<vmem>>, vector<16xf32>,
        %parallel_loop3A_737 = tpu.vector_load_idx %arg5[%parallel_loop3A_697] : memref<16384xf32, #tpu.memory_space<vmem>>[vector<16xi32>], vector<16xf32>,
        %parallel_loop3A_738 = arith.index_cast %parallel_loop3A_688 : i32 to index
        %parallel_loop3A_739 = arith.constant 128 : index
        %parallel_loop3A_740 = tpu.vector_load %arg9[%parallel_loop3A_738, %parallel_loop3A_739] {strides = array<i32>} : memref<128x256xf32, #tpu.memory_space<vmem>>, vector<16xf32>,
        tpu.vector_store %arg9[%parallel_loop3A_738, %parallel_loop3A_739], %parallel_loop3A_737 {strides = array<i32>} : memref<128x256xf32, #tpu.memory_space<vmem>>, vector<16xf32>,
        %parallel_loop3A_741 = tpu.vector_load_idx %arg5[%parallel_loop3A_698] : memref<16384xf32, #tpu.memory_space<vmem>>[vector<16xi32>], vector<16xf32>,
        %parallel_loop3A_742 = arith.index_cast %parallel_loop3A_688 : i32 to index
        %parallel_loop3A_743 = arith.constant 144 : index
        %parallel_loop3A_744 = tpu.vector_load %arg9[%parallel_loop3A_742, %parallel_loop3A_743] {strides = array<i32>} : memref<128x256xf32, #tpu.memory_space<vmem>>, vector<16xf32>,
        tpu.vector_store %arg9[%parallel_loop3A_742, %parallel_loop3A_743], %parallel_loop3A_741 {strides = array<i32>} : memref<128x256xf32, #tpu.memory_space<vmem>>, vector<16xf32>,
        %parallel_loop3A_745 = tpu.vector_load_idx %arg5[%parallel_loop3A_699] : memref<16384xf32, #tpu.memory_space<vmem>>[vector<16xi32>], vector<16xf32>,
        %parallel_loop3A_746 = arith.index_cast %parallel_loop3A_688 : i32 to index
        %parallel_loop3A_747 = arith.constant 160 : index
        %parallel_loop3A_748 = tpu.vector_load %arg9[%parallel_loop3A_746, %parallel_loop3A_747] {strides = array<i32>} : memref<128x256xf32, #tpu.memory_space<vmem>>, vector<16xf32>,
        tpu.vector_store %arg9[%parallel_loop3A_746, %parallel_loop3A_747], %parallel_loop3A_745 {strides = array<i32>} : memref<128x256xf32, #tpu.memory_space<vmem>>, vector<16xf32>,
        %parallel_loop3A_749 = tpu.vector_load_idx %arg5[%parallel_loop3A_700] : memref<16384xf32, #tpu.memory_space<vmem>>[vector<16xi32>], vector<16xf32>,
        %parallel_loop3A_750 = arith.index_cast %parallel_loop3A_688 : i32 to index
        %parallel_loop3A_751 = arith.constant 176 : index
        %parallel_loop3A_752 = tpu.vector_load %arg9[%parallel_loop3A_750, %parallel_loop3A_751] {strides = array<i32>} : memref<128x256xf32, #tpu.memory_space<vmem>>, vector<16xf32>,
        tpu.vector_store %arg9[%parallel_loop3A_750, %parallel_loop3A_751], %parallel_loop3A_749 {strides = array<i32>} : memref<128x256xf32, #tpu.memory_space<vmem>>, vector<16xf32>,
        %parallel_loop3A_753 = tpu.vector_load_idx %arg5[%parallel_loop3A_701] : memref<16384xf32, #tpu.memory_space<vmem>>[vector<16xi32>], vector<16xf32>,
        %parallel_loop3A_754 = arith.index_cast %parallel_loop3A_688 : i32 to index
        %parallel_loop3A_755 = arith.constant 192 : index
        %parallel_loop3A_756 = tpu.vector_load %arg9[%parallel_loop3A_754, %parallel_loop3A_755] {strides = array<i32>} : memref<128x256xf32, #tpu.memory_space<vmem>>, vector<16xf32>,
        tpu.vector_store %arg9[%parallel_loop3A_754, %parallel_loop3A_755], %parallel_loop3A_753 {strides = array<i32>} : memref<128x256xf32, #tpu.memory_space<vmem>>, vector<16xf32>,
        %parallel_loop3A_757 = tpu.vector_load_idx %arg5[%parallel_loop3A_702] : memref<16384xf32, #tpu.memory_space<vmem>>[vector<16xi32>], vector<16xf32>,
        %parallel_loop3A_758 = arith.index_cast %parallel_loop3A_688 : i32 to index
        %parallel_loop3A_759 = arith.constant 208 : index
        %parallel_loop3A_760 = tpu.vector_load %arg9[%parallel_loop3A_758, %parallel_loop3A_759] {strides = array<i32>} : memref<128x256xf32, #tpu.memory_space<vmem>>, vector<16xf32>,
        tpu.vector_store %arg9[%parallel_loop3A_758, %parallel_loop3A_759], %parallel_loop3A_757 {strides = array<i32>} : memref<128x256xf32, #tpu.memory_space<vmem>>, vector<16xf32>,
        %parallel_loop3A_761 = tpu.vector_load_idx %arg5[%parallel_loop3A_703] : memref<16384xf32, #tpu.memory_space<vmem>>[vector<16xi32>], vector<16xf32>,
        %parallel_loop3A_762 = arith.index_cast %parallel_loop3A_688 : i32 to index
        %parallel_loop3A_763 = arith.constant 224 : index
        %parallel_loop3A_764 = tpu.vector_load %arg9[%parallel_loop3A_762, %parallel_loop3A_763] {strides = array<i32>} : memref<128x256xf32, #tpu.memory_space<vmem>>, vector<16xf32>,
        tpu.vector_store %arg9[%parallel_loop3A_762, %parallel_loop3A_763], %parallel_loop3A_761 {strides = array<i32>} : memref<128x256xf32, #tpu.memory_space<vmem>>, vector<16xf32>,
        %parallel_loop3A_765 = tpu.vector_load_idx %arg5[%parallel_loop3A_704] : memref<16384xf32, #tpu.memory_space<vmem>>[vector<16xi32>], vector<16xf32>,
        %parallel_loop3A_766 = arith.index_cast %parallel_loop3A_688 : i32 to index
        %parallel_loop3A_767 = arith.constant 240 : index
        %parallel_loop3A_768 = tpu.vector_load %arg9[%parallel_loop3A_766, %parallel_loop3A_767] {strides = array<i32>} : memref<128x256xf32, #tpu.memory_space<vmem>>, vector<16xf32>,
        tpu.vector_store %arg9[%parallel_loop3A_766, %parallel_loop3A_767], %parallel_loop3A_765 {strides = array<i32>} : memref<128x256xf32, #tpu.memory_space<vmem>>, vector<16xf32>,
        %parallel_loop3A_769 = arith.constant 128 : i32
        %parallel_loop3A_770 = vector.broadcast %parallel_loop3A_769 : i32 to vector<16xi32>
        %parallel_loop3A_771 = arith.addi %parallel_loop3A_689, %parallel_loop3A_770 : vector<16xi32>
        %parallel_loop3A_772 = arith.constant 128 : i32
        %parallel_loop3A_773 = vector.broadcast %parallel_loop3A_772 : i32 to vector<16xi32>
        %parallel_loop3A_774 = arith.addi %parallel_loop3A_690, %parallel_loop3A_773 : vector<16xi32>
        %parallel_loop3A_775 = arith.constant 128 : i32
        %parallel_loop3A_776 = vector.broadcast %parallel_loop3A_775 : i32 to vector<16xi32>
        %parallel_loop3A_777 = arith.addi %parallel_loop3A_691, %parallel_loop3A_776 : vector<16xi32>
        %parallel_loop3A_778 = arith.constant 128 : i32
        %parallel_loop3A_779 = vector.broadcast %parallel_loop3A_778 : i32 to vector<16xi32>
        %parallel_loop3A_780 = arith.addi %parallel_loop3A_692, %parallel_loop3A_779 : vector<16xi32>
        %parallel_loop3A_781 = arith.constant 128 : i32
        %parallel_loop3A_782 = vector.broadcast %parallel_loop3A_781 : i32 to vector<16xi32>
        %parallel_loop3A_783 = arith.addi %parallel_loop3A_693, %parallel_loop3A_782 : vector<16xi32>
        %parallel_loop3A_784 = arith.constant 128 : i32
        %parallel_loop3A_785 = vector.broadcast %parallel_loop3A_784 : i32 to vector<16xi32>
        %parallel_loop3A_786 = arith.addi %parallel_loop3A_694, %parallel_loop3A_785 : vector<16xi32>
        %parallel_loop3A_787 = arith.constant 128 : i32
        %parallel_loop3A_788 = vector.broadcast %parallel_loop3A_787 : i32 to vector<16xi32>
        %parallel_loop3A_789 = arith.addi %parallel_loop3A_695, %parallel_loop3A_788 : vector<16xi32>
        %parallel_loop3A_790 = arith.constant 128 : i32
        %parallel_loop3A_791 = vector.broadcast %parallel_loop3A_790 : i32 to vector<16xi32>
        %parallel_loop3A_792 = arith.addi %parallel_loop3A_696, %parallel_loop3A_791 : vector<16xi32>
        %parallel_loop3A_793 = arith.constant 128 : i32
        %parallel_loop3A_794 = vector.broadcast %parallel_loop3A_793 : i32 to vector<16xi32>
        %parallel_loop3A_795 = arith.addi %parallel_loop3A_697, %parallel_loop3A_794 : vector<16xi32>
        %parallel_loop3A_796 = arith.constant 128 : i32
        %parallel_loop3A_797 = vector.broadcast %parallel_loop3A_796 : i32 to vector<16xi32>
        %parallel_loop3A_798 = arith.addi %parallel_loop3A_698, %parallel_loop3A_797 : vector<16xi32>
        %parallel_loop3A_799 = arith.constant 128 : i32
        %parallel_loop3A_800 = vector.broadcast %parallel_loop3A_799 : i32 to vector<16xi32>
        %parallel_loop3A_801 = arith.addi %parallel_loop3A_699, %parallel_loop3A_800 : vector<16xi32>
        %parallel_loop3A_802 = arith.constant 128 : i32
        %parallel_loop3A_803 = vector.broadcast %parallel_loop3A_802 : i32 to vector<16xi32>
        %parallel_loop3A_804 = arith.addi %parallel_loop3A_700, %parallel_loop3A_803 : vector<16xi32>
        %parallel_loop3A_805 = arith.constant 128 : i32
        %parallel_loop3A_806 = vector.broadcast %parallel_loop3A_805 : i32 to vector<16xi32>
        %parallel_loop3A_807 = arith.addi %parallel_loop3A_701, %parallel_loop3A_806 : vector<16xi32>
        %parallel_loop3A_808 = arith.constant 128 : i32
        %parallel_loop3A_809 = vector.broadcast %parallel_loop3A_808 : i32 to vector<16xi32>
        %parallel_loop3A_810 = arith.addi %parallel_loop3A_702, %parallel_loop3A_809 : vector<16xi32>
        %parallel_loop3A_811 = arith.constant 128 : i32
        %parallel_loop3A_812 = vector.broadcast %parallel_loop3A_811 : i32 to vector<16xi32>
        %parallel_loop3A_813 = arith.addi %parallel_loop3A_703, %parallel_loop3A_812 : vector<16xi32>
        %parallel_loop3A_814 = arith.constant 128 : i32
        %parallel_loop3A_815 = vector.broadcast %parallel_loop3A_814 : i32 to vector<16xi32>
        %parallel_loop3A_816 = arith.addi %parallel_loop3A_704, %parallel_loop3A_815 : vector<16xi32>
        scf.yield %parallel_loop3A_771, %parallel_loop3A_774, %parallel_loop3A_777, %parallel_loop3A_780, %parallel_loop3A_783, %parallel_loop3A_786, %parallel_loop3A_789, %parallel_loop3A_792, %parallel_loop3A_795, %parallel_loop3A_798, %parallel_loop3A_801, %parallel_loop3A_804, %parallel_loop3A_807, %parallel_loop3A_810, %parallel_loop3A_813, %parallel_loop3A_816 : vector<16xi32>, vector<16xi32>, vector<16xi32>, vector<16xi32>, vector<16xi32>, vector<16xi32>, vector<16xi32>, vector<16xi32>, vector<16xi32>, vector<16xi32>, vector<16xi32>, vector<16xi32>, vector<16xi32>, vector<16xi32>, vector<16xi32>, vector<16xi32>
      } {sc.loop_unroll_factor = 2 : i64, sc.parallel_access}
      %dma_start3A = arith.constant 0 : i32
      %dma_start3A_509 = tpu.memref_slice %arg4[%add3A_376, %dma_start3A, %mul3A_392] : memref<64x128x4096xf32, #tpu.memory_space<hbm>> -> memref<1x128x256xf32, #tpu.memory_space<hbm>>
      %dma_start3A_510 = tpu.memref_squeeze %dma_start3A_509 : memref<1x128x256xf32, #tpu.memory_space<hbm>> -> memref<128x256xf32, #tpu.memory_space<hbm>>
      %dma_start3A_511 = arith.constant 0 : i32
      %dma_start3A_512 = tpu.memref_slice %arg4[%add3A_376, %dma_start3A_511, %mul3A_392] : memref<64x128x4096xf32, #tpu.memory_space<hbm>> -> memref<1x128x256xf32, #tpu.memory_space<hbm>>
      %dma_start3A_513 = tpu.memref_squeeze %dma_start3A_512 : memref<1x128x256xf32, #tpu.memory_space<hbm>> -> memref<128x256xf32, #tpu.memory_space<hbm>>
      tpu.enqueue_dma source(%arg9 : memref<128x256xf32, #tpu.memory_space<vmem>>) target(%dma_start3A_513 : memref<128x256xf32, #tpu.memory_space<hbm>>) target_semaphore(%arg11 : memref<!tpu.dma_semaphore, #tpu.memory_space<semaphore_mem>>)
      %add3A_514 = arith.constant 1 : i32
      %add3A_515 = arith.addi %add3A_353, %add3A_514 : i32
      %jit3A_516 = arith.constant 16 : i32
      %div3A_517 = arith.divsi %add3A_515, %jit3A_516 : i32
      %sign3A_518 = arith.constant 0 : i32
      %sign3A_519 = arith.cmpi sgt, %add3A_515, %sign3A_518 : i32
      %sign3A_520 = arith.extui %sign3A_519 : i1 to i32
      %sign3A_521 = arith.constant 0 : i32
      %sign3A_522 = arith.cmpi slt, %add3A_515, %sign3A_521 : i32
      %sign3A_523 = arith.extui %sign3A_522 : i1 to i32
      %sign3A_524 = arith.subi %sign3A_520, %sign3A_523 : i32
      %sign3A_525 = arith.constant 0 : i32
      %sign3A_526 = arith.cmpi sgt, %jit3A_516, %sign3A_525 : i32
      %sign3A_527 = arith.extui %sign3A_526 : i1 to i32
      %sign3A_528 = arith.constant 0 : i32
      %sign3A_529 = arith.cmpi slt, %jit3A_516, %sign3A_528 : i32
      %sign3A_530 = arith.extui %sign3A_529 : i1 to i32
      %sign3A_531 = arith.subi %sign3A_527, %sign3A_530 : i32
      %ne3A_532 = arith.cmpi ne, %sign3A_524, %sign3A_531 : i32
      %rem3A_533 = arith.remsi %add3A_515, %jit3A_516 : i32
      %ne3A_534 = arith.constant 0 : i32
      %ne3A_535 = arith.cmpi ne, %rem3A_533, %ne3A_534 : i32
      %and3A_536 = arith.andi %ne3A_532, %ne3A_535 : i1
      %sub3A_537 = arith.constant 1 : i32
      %sub3A_538 = arith.subi %div3A_517, %sub3A_537 : i32
      %select_n3A_539 = arith.select %and3A_536, %sub3A_538, %div3A_517 : i32
      %mul3A_540 = arith.constant 2 : i32
      %mul3A_541 = arith.muli %add3A, %mul3A_540 : i32
      %add3A_542 = arith.addi %mul3A_541, %select_n3A_539 : i32
      %jit3A_543 = arith.constant 16 : i32
      %eq3A_544 = arith.constant 0 : i32
      %eq3A_545 = arith.cmpi eq, %jit3A_543, %eq3A_544 : i32
      %jit3A_546 = arith.constant 1 : i32
      %select_n3A_547 = arith.select %eq3A_545, %jit3A_546, %jit3A_543 : i32
      %rem3A_548 = arith.remsi %add3A_515, %select_n3A_547 : i32
      %ne3A_549 = arith.constant 0 : i32
      %ne3A_550 = arith.cmpi ne, %rem3A_548, %ne3A_549 : i32
      %lt3A_551 = arith.constant 0 : i32
      %lt3A_552 = arith.cmpi slt, %rem3A_548, %lt3A_551 : i32
      %lt3A_553 = arith.constant 0 : i32
      %lt3A_554 = arith.cmpi slt, %select_n3A_547, %lt3A_553 : i32
      %ne3A_555 = arith.xori %lt3A_552, %lt3A_554 : i1
      %and3A_556 = arith.andi %ne3A_555, %ne3A_550 : i1
      %add3A_557 = arith.addi %rem3A_548, %select_n3A_547 : i32
      %select_n3A_558 = arith.select %and3A_556, %add3A_557, %rem3A_548 : i32
      %mul3A_559 = arith.constant 256 : i32
      %mul3A_560 = arith.muli %select_n3A_558, %mul3A_559 : i32
      %ge3A_561 = arith.constant 2 : i32
      %ge3A_562 = arith.cmpi sge, %add3A_515, %ge3A_561 : i32
      %convert_element_type3A_563 = arith.extui %ge3A_562 : i1 to i32
      %cond3A_564 = arith.constant 0 : i32
      %cond3A_565 = arith.cmpi ne, %convert_element_type3A_563, %cond3A_564 : i32
      scf.if %cond3A_565 {
        %dma_wait3A_688 = arith.constant 0 : i32
        %dma_wait3A_689 = tpu.memref_slice %arg4[%add3A_542, %dma_wait3A_688, %mul3A_560] : memref<64x128x4096xf32, #tpu.memory_space<hbm>> -> memref<1x128x256xf32, #tpu.memory_space<hbm>>
        %dma_wait3A_690 = tpu.memref_squeeze %dma_wait3A_689 : memref<1x128x256xf32, #tpu.memory_space<hbm>> -> memref<128x256xf32, #tpu.memory_space<hbm>>
        %dma_wait3A_691 = arith.constant 0 : i32
        %dma_wait3A_692 = tpu.memref_slice %arg4[%add3A_542, %dma_wait3A_691, %mul3A_560] : memref<64x128x4096xf32, #tpu.memory_space<hbm>> -> memref<1x128x256xf32, #tpu.memory_space<hbm>>
        %dma_wait3A_693 = tpu.memref_squeeze %dma_wait3A_692 : memref<1x128x256xf32, #tpu.memory_space<hbm>> -> memref<128x256xf32, #tpu.memory_space<hbm>>
        tpu.wait_dma2 semaphore(%arg12 : memref<!tpu.dma_semaphore, #tpu.memory_space<semaphore_mem>>) src(%arg10 : memref<128x256xf32, #tpu.memory_space<vmem>>) dst(%dma_wait3A_693 : memref<128x256xf32, #tpu.memory_space<hbm>>)
      } else {
      }
      %mul3A_566 = arith.constant 4096 : i32
      %mul3A_567 = arith.muli %select_n3A_539, %mul3A_566 : i32
      %add3A_568 = arith.addi %mul3A_567, %mul3A_560 : i32
      %add3A_569 = arith.constant 0 : i32
      %add3A_570 = arith.addi %add3A_568, %add3A_569 : i32
      %get3A_571 = arith.index_cast %add3A_570 : i32 to index
      %get3A_572 = tpu.vector_load %arg7[%get3A_571] {strides = array<i32>} : memref<8192xi32, #tpu.memory_space<vmem>>, vector<16xi32>,
      %mul3A_573 = arith.constant 4096 : i32
      %mul3A_574 = arith.muli %select_n3A_539, %mul3A_573 : i32
      %add3A_575 = arith.addi %mul3A_574, %mul3A_560 : i32
      %add3A_576 = arith.constant 16 : i32
      %add3A_577 = arith.addi %add3A_575, %add3A_576 : i32
      %get3A_578 = arith.index_cast %add3A_577 : i32 to index
      %get3A_579 = tpu.vector_load %arg7[%get3A_578] {strides = array<i32>} : memref<8192xi32, #tpu.memory_space<vmem>>, vector<16xi32>,
      %mul3A_580 = arith.constant 4096 : i32
      %mul3A_581 = arith.muli %select_n3A_539, %mul3A_580 : i32
      %add3A_582 = arith.addi %mul3A_581, %mul3A_560 : i32
      %add3A_583 = arith.constant 32 : i32
      %add3A_584 = arith.addi %add3A_582, %add3A_583 : i32
      %get3A_585 = arith.index_cast %add3A_584 : i32 to index
      %get3A_586 = tpu.vector_load %arg7[%get3A_585] {strides = array<i32>} : memref<8192xi32, #tpu.memory_space<vmem>>, vector<16xi32>,
      %mul3A_587 = arith.constant 4096 : i32
      %mul3A_588 = arith.muli %select_n3A_539, %mul3A_587 : i32
      %add3A_589 = arith.addi %mul3A_588, %mul3A_560 : i32
      %add3A_590 = arith.constant 48 : i32
      %add3A_591 = arith.addi %add3A_589, %add3A_590 : i32
      %get3A_592 = arith.index_cast %add3A_591 : i32 to index
      %get3A_593 = tpu.vector_load %arg7[%get3A_592] {strides = array<i32>} : memref<8192xi32, #tpu.memory_space<vmem>>, vector<16xi32>,
      %mul3A_594 = arith.constant 4096 : i32
      %mul3A_595 = arith.muli %select_n3A_539, %mul3A_594 : i32
      %add3A_596 = arith.addi %mul3A_595, %mul3A_560 : i32
      %add3A_597 = arith.constant 64 : i32
      %add3A_598 = arith.addi %add3A_596, %add3A_597 : i32
      %get3A_599 = arith.index_cast %add3A_598 : i32 to index
      %get3A_600 = tpu.vector_load %arg7[%get3A_599] {strides = array<i32>} : memref<8192xi32, #tpu.memory_space<vmem>>, vector<16xi32>,
      %mul3A_601 = arith.constant 4096 : i32
      %mul3A_602 = arith.muli %select_n3A_539, %mul3A_601 : i32
      %add3A_603 = arith.addi %mul3A_602, %mul3A_560 : i32
      %add3A_604 = arith.constant 80 : i32
      %add3A_605 = arith.addi %add3A_603, %add3A_604 : i32
      %get3A_606 = arith.index_cast %add3A_605 : i32 to index
      %get3A_607 = tpu.vector_load %arg7[%get3A_606] {strides = array<i32>} : memref<8192xi32, #tpu.memory_space<vmem>>, vector<16xi32>,
      %mul3A_608 = arith.constant 4096 : i32
      %mul3A_609 = arith.muli %select_n3A_539, %mul3A_608 : i32
      %add3A_610 = arith.addi %mul3A_609, %mul3A_560 : i32
      %add3A_611 = arith.constant 96 : i32
      %add3A_612 = arith.addi %add3A_610, %add3A_611 : i32
      %get3A_613 = arith.index_cast %add3A_612 : i32 to index
      %get3A_614 = tpu.vector_load %arg7[%get3A_613] {strides = array<i32>} : memref<8192xi32, #tpu.memory_space<vmem>>, vector<16xi32>,
      %mul3A_615 = arith.constant 4096 : i32
      %mul3A_616 = arith.muli %select_n3A_539, %mul3A_615 : i32
      %add3A_617 = arith.addi %mul3A_616, %mul3A_560 : i32
      %add3A_618 = arith.constant 112 : i32
      %add3A_619 = arith.addi %add3A_617, %add3A_618 : i32
      %get3A_620 = arith.index_cast %add3A_619 : i32 to index
      %get3A_621 = tpu.vector_load %arg7[%get3A_620] {strides = array<i32>} : memref<8192xi32, #tpu.memory_space<vmem>>, vector<16xi32>,
      %mul3A_622 = arith.constant 4096 : i32
      %mul3A_623 = arith.muli %select_n3A_539, %mul3A_622 : i32
      %add3A_624 = arith.addi %mul3A_623, %mul3A_560 : i32
      %add3A_625 = arith.constant 128 : i32
      %add3A_626 = arith.addi %add3A_624, %add3A_625 : i32
      %get3A_627 = arith.index_cast %add3A_626 : i32 to index
      %get3A_628 = tpu.vector_load %arg7[%get3A_627] {strides = array<i32>} : memref<8192xi32, #tpu.memory_space<vmem>>, vector<16xi32>,
      %mul3A_629 = arith.constant 4096 : i32
      %mul3A_630 = arith.muli %select_n3A_539, %mul3A_629 : i32
      %add3A_631 = arith.addi %mul3A_630, %mul3A_560 : i32
      %add3A_632 = arith.constant 144 : i32
      %add3A_633 = arith.addi %add3A_631, %add3A_632 : i32
      %get3A_634 = arith.index_cast %add3A_633 : i32 to index
      %get3A_635 = tpu.vector_load %arg7[%get3A_634] {strides = array<i32>} : memref<8192xi32, #tpu.memory_space<vmem>>, vector<16xi32>,
      %mul3A_636 = arith.constant 4096 : i32
      %mul3A_637 = arith.muli %select_n3A_539, %mul3A_636 : i32
      %add3A_638 = arith.addi %mul3A_637, %mul3A_560 : i32
      %add3A_639 = arith.constant 160 : i32
      %add3A_640 = arith.addi %add3A_638, %add3A_639 : i32
      %get3A_641 = arith.index_cast %add3A_640 : i32 to index
      %get3A_642 = tpu.vector_load %arg7[%get3A_641] {strides = array<i32>} : memref<8192xi32, #tpu.memory_space<vmem>>, vector<16xi32>,
      %mul3A_643 = arith.constant 4096 : i32
      %mul3A_644 = arith.muli %select_n3A_539, %mul3A_643 : i32
      %add3A_645 = arith.addi %mul3A_644, %mul3A_560 : i32
      %add3A_646 = arith.constant 176 : i32
      %add3A_647 = arith.addi %add3A_645, %add3A_646 : i32
      %get3A_648 = arith.index_cast %add3A_647 : i32 to index
      %get3A_649 = tpu.vector_load %arg7[%get3A_648] {strides = array<i32>} : memref<8192xi32, #tpu.memory_space<vmem>>, vector<16xi32>,
      %mul3A_650 = arith.constant 4096 : i32
      %mul3A_651 = arith.muli %select_n3A_539, %mul3A_650 : i32
      %add3A_652 = arith.addi %mul3A_651, %mul3A_560 : i32
      %add3A_653 = arith.constant 192 : i32
      %add3A_654 = arith.addi %add3A_652, %add3A_653 : i32
      %get3A_655 = arith.index_cast %add3A_654 : i32 to index
      %get3A_656 = tpu.vector_load %arg7[%get3A_655] {strides = array<i32>} : memref<8192xi32, #tpu.memory_space<vmem>>, vector<16xi32>,
      %mul3A_657 = arith.constant 4096 : i32
      %mul3A_658 = arith.muli %select_n3A_539, %mul3A_657 : i32
      %add3A_659 = arith.addi %mul3A_658, %mul3A_560 : i32
      %add3A_660 = arith.constant 208 : i32
      %add3A_661 = arith.addi %add3A_659, %add3A_660 : i32
      %get3A_662 = arith.index_cast %add3A_661 : i32 to index
      %get3A_663 = tpu.vector_load %arg7[%get3A_662] {strides = array<i32>} : memref<8192xi32, #tpu.memory_space<vmem>>, vector<16xi32>,
      %mul3A_664 = arith.constant 4096 : i32
      %mul3A_665 = arith.muli %select_n3A_539, %mul3A_664 : i32
      %add3A_666 = arith.addi %mul3A_665, %mul3A_560 : i32
      %add3A_667 = arith.constant 224 : i32
      %add3A_668 = arith.addi %add3A_666, %add3A_667 : i32
      %get3A_669 = arith.index_cast %add3A_668 : i32 to index
      %get3A_670 = tpu.vector_load %arg7[%get3A_669] {strides = array<i32>} : memref<8192xi32, #tpu.memory_space<vmem>>, vector<16xi32>,
      %mul3A_671 = arith.constant 4096 : i32
      %mul3A_672 = arith.muli %select_n3A_539, %mul3A_671 : i32
      %add3A_673 = arith.addi %mul3A_672, %mul3A_560 : i32
      %add3A_674 = arith.constant 240 : i32
      %add3A_675 = arith.addi %add3A_673, %add3A_674 : i32
      %get3A_676 = arith.index_cast %add3A_675 : i32 to index
      %get3A_677 = tpu.vector_load %arg7[%get3A_676] {strides = array<i32>} : memref<8192xi32, #tpu.memory_space<vmem>>, vector<16xi32>,
      %parallel_loop3A_678 = arith.constant 0 : i32
      %parallel_loop3A_679 = arith.constant 128 : i32
      %parallel_loop3A_680 = arith.constant 1 : i32
      %parallel_loop3A_681:16 = scf.for %parallel_loop3A_688 = %parallel_loop3A_678 to %parallel_loop3A_679 step %parallel_loop3A_680 iter_args(%parallel_loop3A_689 = %get3A_572, %parallel_loop3A_690 = %get3A_579, %parallel_loop3A_691 = %get3A_586, %parallel_loop3A_692 = %get3A_593, %parallel_loop3A_693 = %get3A_600, %parallel_loop3A_694 = %get3A_607, %parallel_loop3A_695 = %get3A_614, %parallel_loop3A_696 = %get3A_621, %parallel_loop3A_697 = %get3A_628, %parallel_loop3A_698 = %get3A_635, %parallel_loop3A_699 = %get3A_642, %parallel_loop3A_700 = %get3A_649, %parallel_loop3A_701 = %get3A_656, %parallel_loop3A_702 = %get3A_663, %parallel_loop3A_703 = %get3A_670, %parallel_loop3A_704 = %get3A_677) -> (vector<16xi32>, vector<16xi32>, vector<16xi32>, vector<16xi32>, vector<16xi32>, vector<16xi32>, vector<16xi32>, vector<16xi32>, vector<16xi32>, vector<16xi32>, vector<16xi32>, vector<16xi32>, vector<16xi32>, vector<16xi32>, vector<16xi32>, vector<16xi32>)  : i32 {
        %parallel_loop3A_705 = tpu.vector_load_idx %arg5[%parallel_loop3A_689] : memref<16384xf32, #tpu.memory_space<vmem>>[vector<16xi32>], vector<16xf32>,
        %parallel_loop3A_706 = arith.index_cast %parallel_loop3A_688 : i32 to index
        %parallel_loop3A_707 = arith.constant 0 : index
        %parallel_loop3A_708 = tpu.vector_load %arg10[%parallel_loop3A_706, %parallel_loop3A_707] {strides = array<i32>} : memref<128x256xf32, #tpu.memory_space<vmem>>, vector<16xf32>,
        tpu.vector_store %arg10[%parallel_loop3A_706, %parallel_loop3A_707], %parallel_loop3A_705 {strides = array<i32>} : memref<128x256xf32, #tpu.memory_space<vmem>>, vector<16xf32>,
        %parallel_loop3A_709 = tpu.vector_load_idx %arg5[%parallel_loop3A_690] : memref<16384xf32, #tpu.memory_space<vmem>>[vector<16xi32>], vector<16xf32>,
        %parallel_loop3A_710 = arith.index_cast %parallel_loop3A_688 : i32 to index
        %parallel_loop3A_711 = arith.constant 16 : index
        %parallel_loop3A_712 = tpu.vector_load %arg10[%parallel_loop3A_710, %parallel_loop3A_711] {strides = array<i32>} : memref<128x256xf32, #tpu.memory_space<vmem>>, vector<16xf32>,
        tpu.vector_store %arg10[%parallel_loop3A_710, %parallel_loop3A_711], %parallel_loop3A_709 {strides = array<i32>} : memref<128x256xf32, #tpu.memory_space<vmem>>, vector<16xf32>,
        %parallel_loop3A_713 = tpu.vector_load_idx %arg5[%parallel_loop3A_691] : memref<16384xf32, #tpu.memory_space<vmem>>[vector<16xi32>], vector<16xf32>,
        %parallel_loop3A_714 = arith.index_cast %parallel_loop3A_688 : i32 to index
        %parallel_loop3A_715 = arith.constant 32 : index
        %parallel_loop3A_716 = tpu.vector_load %arg10[%parallel_loop3A_714, %parallel_loop3A_715] {strides = array<i32>} : memref<128x256xf32, #tpu.memory_space<vmem>>, vector<16xf32>,
        tpu.vector_store %arg10[%parallel_loop3A_714, %parallel_loop3A_715], %parallel_loop3A_713 {strides = array<i32>} : memref<128x256xf32, #tpu.memory_space<vmem>>, vector<16xf32>,
        %parallel_loop3A_717 = tpu.vector_load_idx %arg5[%parallel_loop3A_692] : memref<16384xf32, #tpu.memory_space<vmem>>[vector<16xi32>], vector<16xf32>,
        %parallel_loop3A_718 = arith.index_cast %parallel_loop3A_688 : i32 to index
        %parallel_loop3A_719 = arith.constant 48 : index
        %parallel_loop3A_720 = tpu.vector_load %arg10[%parallel_loop3A_718, %parallel_loop3A_719] {strides = array<i32>} : memref<128x256xf32, #tpu.memory_space<vmem>>, vector<16xf32>,
        tpu.vector_store %arg10[%parallel_loop3A_718, %parallel_loop3A_719], %parallel_loop3A_717 {strides = array<i32>} : memref<128x256xf32, #tpu.memory_space<vmem>>, vector<16xf32>,
        %parallel_loop3A_721 = tpu.vector_load_idx %arg5[%parallel_loop3A_693] : memref<16384xf32, #tpu.memory_space<vmem>>[vector<16xi32>], vector<16xf32>,
        %parallel_loop3A_722 = arith.index_cast %parallel_loop3A_688 : i32 to index
        %parallel_loop3A_723 = arith.constant 64 : index
        %parallel_loop3A_724 = tpu.vector_load %arg10[%parallel_loop3A_722, %parallel_loop3A_723] {strides = array<i32>} : memref<128x256xf32, #tpu.memory_space<vmem>>, vector<16xf32>,
        tpu.vector_store %arg10[%parallel_loop3A_722, %parallel_loop3A_723], %parallel_loop3A_721 {strides = array<i32>} : memref<128x256xf32, #tpu.memory_space<vmem>>, vector<16xf32>,
        %parallel_loop3A_725 = tpu.vector_load_idx %arg5[%parallel_loop3A_694] : memref<16384xf32, #tpu.memory_space<vmem>>[vector<16xi32>], vector<16xf32>,
        %parallel_loop3A_726 = arith.index_cast %parallel_loop3A_688 : i32 to index
        %parallel_loop3A_727 = arith.constant 80 : index
        %parallel_loop3A_728 = tpu.vector_load %arg10[%parallel_loop3A_726, %parallel_loop3A_727] {strides = array<i32>} : memref<128x256xf32, #tpu.memory_space<vmem>>, vector<16xf32>,
        tpu.vector_store %arg10[%parallel_loop3A_726, %parallel_loop3A_727], %parallel_loop3A_725 {strides = array<i32>} : memref<128x256xf32, #tpu.memory_space<vmem>>, vector<16xf32>,
        %parallel_loop3A_729 = tpu.vector_load_idx %arg5[%parallel_loop3A_695] : memref<16384xf32, #tpu.memory_space<vmem>>[vector<16xi32>], vector<16xf32>,
        %parallel_loop3A_730 = arith.index_cast %parallel_loop3A_688 : i32 to index
        %parallel_loop3A_731 = arith.constant 96 : index
        %parallel_loop3A_732 = tpu.vector_load %arg10[%parallel_loop3A_730, %parallel_loop3A_731] {strides = array<i32>} : memref<128x256xf32, #tpu.memory_space<vmem>>, vector<16xf32>,
        tpu.vector_store %arg10[%parallel_loop3A_730, %parallel_loop3A_731], %parallel_loop3A_729 {strides = array<i32>} : memref<128x256xf32, #tpu.memory_space<vmem>>, vector<16xf32>,
        %parallel_loop3A_733 = tpu.vector_load_idx %arg5[%parallel_loop3A_696] : memref<16384xf32, #tpu.memory_space<vmem>>[vector<16xi32>], vector<16xf32>,
        %parallel_loop3A_734 = arith.index_cast %parallel_loop3A_688 : i32 to index
        %parallel_loop3A_735 = arith.constant 112 : index
        %parallel_loop3A_736 = tpu.vector_load %arg10[%parallel_loop3A_734, %parallel_loop3A_735] {strides = array<i32>} : memref<128x256xf32, #tpu.memory_space<vmem>>, vector<16xf32>,
        tpu.vector_store %arg10[%parallel_loop3A_734, %parallel_loop3A_735], %parallel_loop3A_733 {strides = array<i32>} : memref<128x256xf32, #tpu.memory_space<vmem>>, vector<16xf32>,
        %parallel_loop3A_737 = tpu.vector_load_idx %arg5[%parallel_loop3A_697] : memref<16384xf32, #tpu.memory_space<vmem>>[vector<16xi32>], vector<16xf32>,
        %parallel_loop3A_738 = arith.index_cast %parallel_loop3A_688 : i32 to index
        %parallel_loop3A_739 = arith.constant 128 : index
        %parallel_loop3A_740 = tpu.vector_load %arg10[%parallel_loop3A_738, %parallel_loop3A_739] {strides = array<i32>} : memref<128x256xf32, #tpu.memory_space<vmem>>, vector<16xf32>,
        tpu.vector_store %arg10[%parallel_loop3A_738, %parallel_loop3A_739], %parallel_loop3A_737 {strides = array<i32>} : memref<128x256xf32, #tpu.memory_space<vmem>>, vector<16xf32>,
        %parallel_loop3A_741 = tpu.vector_load_idx %arg5[%parallel_loop3A_698] : memref<16384xf32, #tpu.memory_space<vmem>>[vector<16xi32>], vector<16xf32>,
        %parallel_loop3A_742 = arith.index_cast %parallel_loop3A_688 : i32 to index
        %parallel_loop3A_743 = arith.constant 144 : index
        %parallel_loop3A_744 = tpu.vector_load %arg10[%parallel_loop3A_742, %parallel_loop3A_743] {strides = array<i32>} : memref<128x256xf32, #tpu.memory_space<vmem>>, vector<16xf32>,
        tpu.vector_store %arg10[%parallel_loop3A_742, %parallel_loop3A_743], %parallel_loop3A_741 {strides = array<i32>} : memref<128x256xf32, #tpu.memory_space<vmem>>, vector<16xf32>,
        %parallel_loop3A_745 = tpu.vector_load_idx %arg5[%parallel_loop3A_699] : memref<16384xf32, #tpu.memory_space<vmem>>[vector<16xi32>], vector<16xf32>,
        %parallel_loop3A_746 = arith.index_cast %parallel_loop3A_688 : i32 to index
        %parallel_loop3A_747 = arith.constant 160 : index
        %parallel_loop3A_748 = tpu.vector_load %arg10[%parallel_loop3A_746, %parallel_loop3A_747] {strides = array<i32>} : memref<128x256xf32, #tpu.memory_space<vmem>>, vector<16xf32>,
        tpu.vector_store %arg10[%parallel_loop3A_746, %parallel_loop3A_747], %parallel_loop3A_745 {strides = array<i32>} : memref<128x256xf32, #tpu.memory_space<vmem>>, vector<16xf32>,
        %parallel_loop3A_749 = tpu.vector_load_idx %arg5[%parallel_loop3A_700] : memref<16384xf32, #tpu.memory_space<vmem>>[vector<16xi32>], vector<16xf32>,
        %parallel_loop3A_750 = arith.index_cast %parallel_loop3A_688 : i32 to index
        %parallel_loop3A_751 = arith.constant 176 : index
        %parallel_loop3A_752 = tpu.vector_load %arg10[%parallel_loop3A_750, %parallel_loop3A_751] {strides = array<i32>} : memref<128x256xf32, #tpu.memory_space<vmem>>, vector<16xf32>,
        tpu.vector_store %arg10[%parallel_loop3A_750, %parallel_loop3A_751], %parallel_loop3A_749 {strides = array<i32>} : memref<128x256xf32, #tpu.memory_space<vmem>>, vector<16xf32>,
        %parallel_loop3A_753 = tpu.vector_load_idx %arg5[%parallel_loop3A_701] : memref<16384xf32, #tpu.memory_space<vmem>>[vector<16xi32>], vector<16xf32>,
        %parallel_loop3A_754 = arith.index_cast %parallel_loop3A_688 : i32 to index
        %parallel_loop3A_755 = arith.constant 192 : index
        %parallel_loop3A_756 = tpu.vector_load %arg10[%parallel_loop3A_754, %parallel_loop3A_755] {strides = array<i32>} : memref<128x256xf32, #tpu.memory_space<vmem>>, vector<16xf32>,
        tpu.vector_store %arg10[%parallel_loop3A_754, %parallel_loop3A_755], %parallel_loop3A_753 {strides = array<i32>} : memref<128x256xf32, #tpu.memory_space<vmem>>, vector<16xf32>,
        %parallel_loop3A_757 = tpu.vector_load_idx %arg5[%parallel_loop3A_702] : memref<16384xf32, #tpu.memory_space<vmem>>[vector<16xi32>], vector<16xf32>,
        %parallel_loop3A_758 = arith.index_cast %parallel_loop3A_688 : i32 to index
        %parallel_loop3A_759 = arith.constant 208 : index
        %parallel_loop3A_760 = tpu.vector_load %arg10[%parallel_loop3A_758, %parallel_loop3A_759] {strides = array<i32>} : memref<128x256xf32, #tpu.memory_space<vmem>>, vector<16xf32>,
        tpu.vector_store %arg10[%parallel_loop3A_758, %parallel_loop3A_759], %parallel_loop3A_757 {strides = array<i32>} : memref<128x256xf32, #tpu.memory_space<vmem>>, vector<16xf32>,
        %parallel_loop3A_761 = tpu.vector_load_idx %arg5[%parallel_loop3A_703] : memref<16384xf32, #tpu.memory_space<vmem>>[vector<16xi32>], vector<16xf32>,
        %parallel_loop3A_762 = arith.index_cast %parallel_loop3A_688 : i32 to index
        %parallel_loop3A_763 = arith.constant 224 : index
        %parallel_loop3A_764 = tpu.vector_load %arg10[%parallel_loop3A_762, %parallel_loop3A_763] {strides = array<i32>} : memref<128x256xf32, #tpu.memory_space<vmem>>, vector<16xf32>,
        tpu.vector_store %arg10[%parallel_loop3A_762, %parallel_loop3A_763], %parallel_loop3A_761 {strides = array<i32>} : memref<128x256xf32, #tpu.memory_space<vmem>>, vector<16xf32>,
        %parallel_loop3A_765 = tpu.vector_load_idx %arg5[%parallel_loop3A_704] : memref<16384xf32, #tpu.memory_space<vmem>>[vector<16xi32>], vector<16xf32>,
        %parallel_loop3A_766 = arith.index_cast %parallel_loop3A_688 : i32 to index
        %parallel_loop3A_767 = arith.constant 240 : index
        %parallel_loop3A_768 = tpu.vector_load %arg10[%parallel_loop3A_766, %parallel_loop3A_767] {strides = array<i32>} : memref<128x256xf32, #tpu.memory_space<vmem>>, vector<16xf32>,
        tpu.vector_store %arg10[%parallel_loop3A_766, %parallel_loop3A_767], %parallel_loop3A_765 {strides = array<i32>} : memref<128x256xf32, #tpu.memory_space<vmem>>, vector<16xf32>,
        %parallel_loop3A_769 = arith.constant 128 : i32
        %parallel_loop3A_770 = vector.broadcast %parallel_loop3A_769 : i32 to vector<16xi32>
        %parallel_loop3A_771 = arith.addi %parallel_loop3A_689, %parallel_loop3A_770 : vector<16xi32>
        %parallel_loop3A_772 = arith.constant 128 : i32
        %parallel_loop3A_773 = vector.broadcast %parallel_loop3A_772 : i32 to vector<16xi32>
        %parallel_loop3A_774 = arith.addi %parallel_loop3A_690, %parallel_loop3A_773 : vector<16xi32>
        %parallel_loop3A_775 = arith.constant 128 : i32
        %parallel_loop3A_776 = vector.broadcast %parallel_loop3A_775 : i32 to vector<16xi32>
        %parallel_loop3A_777 = arith.addi %parallel_loop3A_691, %parallel_loop3A_776 : vector<16xi32>
        %parallel_loop3A_778 = arith.constant 128 : i32
        %parallel_loop3A_779 = vector.broadcast %parallel_loop3A_778 : i32 to vector<16xi32>
        %parallel_loop3A_780 = arith.addi %parallel_loop3A_692, %parallel_loop3A_779 : vector<16xi32>
        %parallel_loop3A_781 = arith.constant 128 : i32
        %parallel_loop3A_782 = vector.broadcast %parallel_loop3A_781 : i32 to vector<16xi32>
        %parallel_loop3A_783 = arith.addi %parallel_loop3A_693, %parallel_loop3A_782 : vector<16xi32>
        %parallel_loop3A_784 = arith.constant 128 : i32
        %parallel_loop3A_785 = vector.broadcast %parallel_loop3A_784 : i32 to vector<16xi32>
        %parallel_loop3A_786 = arith.addi %parallel_loop3A_694, %parallel_loop3A_785 : vector<16xi32>
        %parallel_loop3A_787 = arith.constant 128 : i32
        %parallel_loop3A_788 = vector.broadcast %parallel_loop3A_787 : i32 to vector<16xi32>
        %parallel_loop3A_789 = arith.addi %parallel_loop3A_695, %parallel_loop3A_788 : vector<16xi32>
        %parallel_loop3A_790 = arith.constant 128 : i32
        %parallel_loop3A_791 = vector.broadcast %parallel_loop3A_790 : i32 to vector<16xi32>
        %parallel_loop3A_792 = arith.addi %parallel_loop3A_696, %parallel_loop3A_791 : vector<16xi32>
        %parallel_loop3A_793 = arith.constant 128 : i32
        %parallel_loop3A_794 = vector.broadcast %parallel_loop3A_793 : i32 to vector<16xi32>
        %parallel_loop3A_795 = arith.addi %parallel_loop3A_697, %parallel_loop3A_794 : vector<16xi32>
        %parallel_loop3A_796 = arith.constant 128 : i32
        %parallel_loop3A_797 = vector.broadcast %parallel_loop3A_796 : i32 to vector<16xi32>
        %parallel_loop3A_798 = arith.addi %parallel_loop3A_698, %parallel_loop3A_797 : vector<16xi32>
        %parallel_loop3A_799 = arith.constant 128 : i32
        %parallel_loop3A_800 = vector.broadcast %parallel_loop3A_799 : i32 to vector<16xi32>
        %parallel_loop3A_801 = arith.addi %parallel_loop3A_699, %parallel_loop3A_800 : vector<16xi32>
        %parallel_loop3A_802 = arith.constant 128 : i32
        %parallel_loop3A_803 = vector.broadcast %parallel_loop3A_802 : i32 to vector<16xi32>
        %parallel_loop3A_804 = arith.addi %parallel_loop3A_700, %parallel_loop3A_803 : vector<16xi32>
        %parallel_loop3A_805 = arith.constant 128 : i32
        %parallel_loop3A_806 = vector.broadcast %parallel_loop3A_805 : i32 to vector<16xi32>
        %parallel_loop3A_807 = arith.addi %parallel_loop3A_701, %parallel_loop3A_806 : vector<16xi32>
        %parallel_loop3A_808 = arith.constant 128 : i32
        %parallel_loop3A_809 = vector.broadcast %parallel_loop3A_808 : i32 to vector<16xi32>
        %parallel_loop3A_810 = arith.addi %parallel_loop3A_702, %parallel_loop3A_809 : vector<16xi32>
        %parallel_loop3A_811 = arith.constant 128 : i32
        %parallel_loop3A_812 = vector.broadcast %parallel_loop3A_811 : i32 to vector<16xi32>
        %parallel_loop3A_813 = arith.addi %parallel_loop3A_703, %parallel_loop3A_812 : vector<16xi32>
        %parallel_loop3A_814 = arith.constant 128 : i32
        %parallel_loop3A_815 = vector.broadcast %parallel_loop3A_814 : i32 to vector<16xi32>
        %parallel_loop3A_816 = arith.addi %parallel_loop3A_704, %parallel_loop3A_815 : vector<16xi32>
        scf.yield %parallel_loop3A_771, %parallel_loop3A_774, %parallel_loop3A_777, %parallel_loop3A_780, %parallel_loop3A_783, %parallel_loop3A_786, %parallel_loop3A_789, %parallel_loop3A_792, %parallel_loop3A_795, %parallel_loop3A_798, %parallel_loop3A_801, %parallel_loop3A_804, %parallel_loop3A_807, %parallel_loop3A_810, %parallel_loop3A_813, %parallel_loop3A_816 : vector<16xi32>, vector<16xi32>, vector<16xi32>, vector<16xi32>, vector<16xi32>, vector<16xi32>, vector<16xi32>, vector<16xi32>, vector<16xi32>, vector<16xi32>, vector<16xi32>, vector<16xi32>, vector<16xi32>, vector<16xi32>, vector<16xi32>, vector<16xi32>
      } {sc.loop_unroll_factor = 2 : i64, sc.parallel_access}
      %dma_start3A_682 = arith.constant 0 : i32
      %dma_start3A_683 = tpu.memref_slice %arg4[%add3A_542, %dma_start3A_682, %mul3A_560] : memref<64x128x4096xf32, #tpu.memory_space<hbm>> -> memref<1x128x256xf32, #tpu.memory_space<hbm>>
      %dma_start3A_684 = tpu.memref_squeeze %dma_start3A_683 : memref<1x128x256xf32, #tpu.memory_space<hbm>> -> memref<128x256xf32, #tpu.memory_space<hbm>>
      %dma_start3A_685 = arith.constant 0 : i32
      %dma_start3A_686 = tpu.memref_slice %arg4[%add3A_542, %dma_start3A_685, %mul3A_560] : memref<64x128x4096xf32, #tpu.memory_space<hbm>> -> memref<1x128x256xf32, #tpu.memory_space<hbm>>
      %dma_start3A_687 = tpu.memref_squeeze %dma_start3A_686 : memref<1x128x256xf32, #tpu.memory_space<hbm>> -> memref<128x256xf32, #tpu.memory_space<hbm>>
      tpu.enqueue_dma source(%arg10 : memref<128x256xf32, #tpu.memory_space<vmem>>) target(%dma_start3A_687 : memref<128x256xf32, #tpu.memory_space<hbm>>) target_semaphore(%arg12 : memref<!tpu.dma_semaphore, #tpu.memory_space<semaphore_mem>>)
    }
    %scan3A_329 = arith.constant 16 : i32
    %mul3A_330 = arith.constant 2 : i32
    %mul3A_331 = arith.muli %add3A, %mul3A_330 : i32
    %dma_wait3A = arith.constant 0 : i32
    %dma_wait3A_332 = arith.constant 0 : i32
    %dma_wait3A_333 = tpu.memref_slice %arg4[%mul3A_331, %dma_wait3A, %dma_wait3A_332] : memref<64x128x4096xf32, #tpu.memory_space<hbm>> -> memref<1x128x256xf32, #tpu.memory_space<hbm>>
    %dma_wait3A_334 = tpu.memref_squeeze %dma_wait3A_333 : memref<1x128x256xf32, #tpu.memory_space<hbm>> -> memref<128x256xf32, #tpu.memory_space<hbm>>
    %dma_wait3A_335 = arith.constant 0 : i32
    %dma_wait3A_336 = arith.constant 0 : i32
    %dma_wait3A_337 = tpu.memref_slice %arg4[%mul3A_331, %dma_wait3A_335, %dma_wait3A_336] : memref<64x128x4096xf32, #tpu.memory_space<hbm>> -> memref<1x128x256xf32, #tpu.memory_space<hbm>>
    %dma_wait3A_338 = tpu.memref_squeeze %dma_wait3A_337 : memref<1x128x256xf32, #tpu.memory_space<hbm>> -> memref<128x256xf32, #tpu.memory_space<hbm>>
    tpu.wait_dma2 semaphore(%arg11 : memref<!tpu.dma_semaphore, #tpu.memory_space<semaphore_mem>>) src(%arg9 : memref<128x256xf32, #tpu.memory_space<vmem>>) dst(%dma_wait3A_338 : memref<128x256xf32, #tpu.memory_space<hbm>>)
    %mul3A_339 = arith.constant 2 : i32
    %mul3A_340 = arith.muli %add3A, %mul3A_339 : i32
    %dma_wait3A_341 = arith.constant 0 : i32
    %dma_wait3A_342 = arith.constant 0 : i32
    %dma_wait3A_343 = tpu.memref_slice %arg4[%mul3A_340, %dma_wait3A_341, %dma_wait3A_342] : memref<64x128x4096xf32, #tpu.memory_space<hbm>> -> memref<1x128x256xf32, #tpu.memory_space<hbm>>
    %dma_wait3A_344 = tpu.memref_squeeze %dma_wait3A_343 : memref<1x128x256xf32, #tpu.memory_space<hbm>> -> memref<128x256xf32, #tpu.memory_space<hbm>>
    %dma_wait3A_345 = arith.constant 0 : i32
    %dma_wait3A_346 = arith.constant 0 : i32
    %dma_wait3A_347 = tpu.memref_slice %arg4[%mul3A_340, %dma_wait3A_345, %dma_wait3A_346] : memref<64x128x4096xf32, #tpu.memory_space<hbm>> -> memref<1x128x256xf32, #tpu.memory_space<hbm>>
    %dma_wait3A_348 = tpu.memref_squeeze %dma_wait3A_347 : memref<1x128x256xf32, #tpu.memory_space<hbm>> -> memref<128x256xf32, #tpu.memory_space<hbm>>
    tpu.wait_dma2 semaphore(%arg12 : memref<!tpu.dma_semaphore, #tpu.memory_space<semaphore_mem>>) src(%arg10 : memref<128x256xf32, #tpu.memory_space<vmem>>) dst(%dma_wait3A_348 : memref<128x256xf32, #tpu.memory_space<hbm>>)
    return
  }
}

</mosaic_0001>

<sc_bundles>
// kernel: kernel.3.cloned.1.call-start
scs
__scs_entry_jumppad:
0x0: {  	(pc) =	sbr.rel $0x88, $3  }
0x1: {  	(tag) =	ssettag $0x0;
	lr =	simm.s32 $0x1  }
0x2: {  	[smem:$0x3FA0] =	sst lr;
	_ =	strace $0xD0000000  }
0x3: {  	_ = 	snop  }
0x4: {  	_ = 	snop  }
0x5: {  	_ = 	snop  }
0x6: {  	_ = 	snop  }
0x7: {  	_ = 	snop  }
__scs_overlays_trampoline_lowered:
0x8: {  	[smem:$0x3FAF] =	sst s0  }
0x9: {  	[smem:$0x3FB0] =	sst s1  }
0xa: {  	[smem:$0x3FB1] =	sst s2  }
0xb: {  	[smem:$0x3FB2] =	sst s3  }
0xc: {  	[smem:$0x3FB3] =	sst s4  }
0xd: {  	[smem:$0x3FB4] =	sst s5  }
0xe: {  	[smem:$0x3FB5] =	sst s6  }
0xf: {  	[smem:$0x3FB6] =	sst s7  }
0x10: {  	[smem:$0x3FB7] =	sst s8  }
0x11: {  	[smem:$0x3FB8] =	sst s9;
	s0 =	simm.s32 @!p0 $0x0  }
0x12: {  	s1 =	sld [smem:$0x3F9E];
	s0 =	simm.s32 @p0 $0x1  }
0x13: {  	[smem:$0x3FB9] =	sst s0;
	s0 =	simm.s32 @!p1 $0x0  }
0x14: {  	s2 =	sld [smem:$0x3F9D];
	s0 =	simm.s32 @p1 $0x1  }
0x15: {  	[smem:$0x3FBA] =	sst s0;
	s0 =	simm.s32 @!p2 $0x0  }
0x16: {  	s3 =	sld [smem:$0x3FDB];
	s0 =	simm.s32 @p2 $0x1  }
0x17: {  	s4 =	simm.s32 $0x1BF5;
	[smem:$0x3FBC] =	sst s0  }
0x18: {  	s0 =	sld [smem:$0x3F9F];
	_ =	swait.ge [sflag:s4], $0x0  }
0x19: {  	s7 =	sld [smem:$0x3FA0]  }
0x1a: {  	s8 =	sadd.s32 $0xFFFFE003, lr  }
0x1b: {  	s9 =	sadd.s32 $0xFFFFFEF7, lr;
	s5 =	simm.s32 $0xFFFFFFFF;
	p2 =	slt.u32 s8, $0xFFFFF086  }
0x1c: {  	p1 =	slt.u32 s9, $0xF7A;
	s5 =	simm.s32 @!p2 $0x0  }
0x1d: {  	s5 =	simm.s32 @p1 $0x1;
	p0 =	seq.s32 s7, s2  }
0x1e: {  	s7 =	smul.u32 @!p0 $0xF7A, s2;
	p2 =	seq.s32 @!p0 s5, $0x0  }
0x1f: {  	s9 =	smul.u32 $0xF7A, s1;
	s8 =	simm.s32 @!p0 $0x1BF5;
	p2 =	por !p2, p0  }
0x20: {  	[sflag:s8] =	ssyncset.s32 @!p0 $0xFFFFF086;
	s6 =	sadd.s32 @!p0 s3, s7;
	s7 =	simm.s32 @!p0 $0x108  }
0x21: {  	s3 =	sadd.s32 s3, s9;
	s6 =	sadd.s32 @!p0 $0x88, s6;
	s7 =	simm.s32 @p2 $0x1082  }
0x22: {  	[simem:s7], [sflag:s8] =	dma.local @!p0 [hbm:s6], $0xF7A  }
0x23: {  	s9 =	sor.u32 $0xD0000000, s2;
	s6 =	simm.s32 $0x108;
	_ =	swait.ge @!p0 [sflag:s8], $0x0  }
0x24: {  	s3 =	sadd.s32 $0x88, s3;
	s6 =	simm.s32 @!p1 $0x1082;
	[sflag:s4] =	ssyncset.s32 $0xFFFFF086  }
0x25: {  	[simem:s6], [sflag:s4] =	dma.local [hbm:s3], $0xF7A  }
0x26: {  	[smem:$0x3FA0] =	sst s1;
	(tag) =	ssettag s2;
	_ =	strace s9  }
0x27: {  	s1 =	sld [smem:$0x3FB0]  }
0x28: {  	s2 =	sld [smem:$0x3FB1]  }
0x29: {  	s4 =	sld [smem:$0x3FB3]  }
0x2a: {  	p0 =	seq.s32 s5, $0x0;
	s5 =	sld [smem:$0x3FB4]  }
0x2b: {  	s6 =	sld [smem:$0x3FB5]  }
0x2c: {  	s7 =	sld [smem:$0x3FB6]  }
0x2d: {  	s3 =	simm.s32 $0x108;
	s8 =	sld [smem:$0x3FB7]  }
0x2e: {  	s3 =	simm.s32 @!p0 $0x1082;
	s9 =	sld [smem:$0x3FB8]  }
0x2f: {  	lr =	sadd.s32 s0, s3;
	s0 =	sld [smem:$0x3FAF]  }
0x30: {  	s3 =	sld [smem:$0x3FB2]  }
0x31: {  	[smem:$0x3FBB] =	sst s10  }
0x32: {  	s10 =	sld [smem:$0x3FB9];
	_ =	sdelay $0x3  }
0x33: {  	p0 =	seq.s32 s10, $0x1;
	s10 =	sld [smem:$0x3FBB];
	_ =	sdelay $0x3  }
0x34: {  	[smem:$0x3FBB] =	sst s10  }
0x35: {  	s10 =	sld [smem:$0x3FBA];
	_ =	sdelay $0x3  }
0x36: {  	p1 =	seq.s32 s10, $0x1;
	s10 =	sld [smem:$0x3FBB];
	_ =	sdelay $0x3  }
0x37: {  	[smem:$0x3FBB] =	sst s10  }
0x38: {  	s10 =	sld [smem:$0x3FBC]  }
0x39: {  	_ = 	snop;
	(pc) =	sbr.ind lr, $3  }
0x3a: {  	_ = 	snop  }
0x3b: {  	_ = 	snop  }
0x3c: {  	p2 =	seq.s32 s10, $0x1;
	s10 =	sld [smem:$0x3FBB]  }
0x3d: {  	_ =	shalt  }
0x3e: {  	_ =	shalt  }
0x3f: {  	_ =	shalt  }
0x40: {  	_ =	shalt  }
0x41: {  	_ =	shalt  }
0x42: {  	_ =	shalt  }
0x43: {  	_ =	shalt  }
0x44: {  	_ =	shalt  }
0x45: {  	_ =	shalt  }
0x46: {  	_ =	shalt  }
0x47: {  	_ =	shalt  }
0x48: {  	_ =	shalt  }
0x49: {  	_ =	shalt  }
0x4a: {  	_ =	shalt  }
0x4b: {  	_ =	shalt  }
0x4c: {  	_ =	shalt  }
0x4d: {  	_ =	shalt  }
0x4e: {  	_ =	shalt  }
0x4f: {  	_ =	shalt  }
0x50: {  	_ =	shalt  }
0x51: {  	_ =	shalt  }
0x52: {  	_ =	shalt  }
0x53: {  	_ =	shalt  }
0x54: {  	_ =	shalt  }
0x55: {  	_ =	shalt  }
0x56: {  	_ =	shalt  }
0x57: {  	_ =	shalt  }
0x58: {  	_ =	shalt  }
0x59: {  	_ =	shalt  }
0x5a: {  	_ =	shalt  }
0x5b: {  	_ =	shalt  }
0x5c: {  	_ =	shalt  }
0x5d: {  	_ =	shalt  }
0x5e: {  	_ =	shalt  }
0x5f: {  	_ =	shalt  }
0x60: {  	_ =	shalt  }
0x61: {  	_ =	shalt  }
0x62: {  	_ =	shalt  }
0x63: {  	_ =	shalt  }
0x64: {  	_ =	shalt  }
0x65: {  	_ =	shalt  }
0x66: {  	_ =	shalt  }
0x67: {  	_ =	shalt  }
0x68: {  	_ =	shalt  }
0x69: {  	_ =	shalt  }
0x6a: {  	_ =	shalt  }
0x6b: {  	_ =	shalt  }
0x6c: {  	_ =	shalt  }
0x6d: {  	_ =	shalt  }
0x6e: {  	_ =	shalt  }
0x6f: {  	_ =	shalt  }
0x70: {  	_ =	shalt  }
0x71: {  	_ =	shalt  }
0x72: {  	_ =	shalt  }
0x73: {  	_ =	shalt  }
0x74: {  	_ =	shalt  }
0x75: {  	_ =	shalt  }
0x76: {  	_ =	shalt  }
0x77: {  	_ =	shalt  }
0x78: {  	_ =	shalt  }
0x79: {  	_ =	shalt  }
0x7a: {  	_ =	shalt  }
0x7b: {  	_ =	shalt  }
0x7c: {  	_ =	shalt  }
0x7d: {  	_ =	shalt  }
0x7e: {  	_ =	shalt  }
0x7f: {  	_ =	shalt  }
0x80: {  	_ =	shalt  }
0x81: {  	_ =	shalt  }
0x82: {  	_ =	shalt  }
0x83: {  	_ =	shalt  }
0x84: {  	_ =	shalt  }
0x85: {  	_ =	shalt  }
0x86: {  	_ =	shalt  }
0x87: {  	_ =	shalt  }
.Lfunc_end0:
.L_simem_size_0:
called_computation_lowered:
.L_overlay_start_0:
0x88: {  	s2 =	sld [smem:$0x3FD9]  }
0x89: {  	s3 =	sld [smem:$0x3FFE];
	_ =	sdelay $0x1  }
0x8a: {  	s1 =	srdreg.scid  }
0x8b: {  	s0 =	sand.u32 $0x1, s1  }
0x8c: {  	s17 =	sshll.u32 s0, $0xA;
	s2 =	sadd.s32 s3, s2  }
0x8d: {  	s2 =	sadd.s32 s2, s17  }
0x8e: {  	[smem:$0x3FC7] =	sst s2  }
0x8f: {  	_ = 	snop  }
0x90: {  	s2 =	sld [smem:$0x3FC9]  }
0x91: {  	s18 =	sld [smem:$0x3FD0];
	(tm) =	ssettm $0x1  }
0x92: {  	s4 =	sld [smem:$0x3FFB];
	_ =	sdelay $0x3  }
0x93: {  	_ =	strace s4  }
0x94: {  	s4 =	sld [smem:$0x3FFC];
	_ =	sdelay $0x3  }
0x95: {  	_ =	strace s4  }
0x96: {  	s4 =	sld [smem:$0x3FFD];
	_ =	sdelay $0x3  }
0x97: {  	_ =	strace s4  }
0x98: {  	_ =	strace $0x8FFFFFFF  }
0x99: {  	s19 =	sld [smem:$0x3FDB];
	_ =	sdelay $0x1  }
0x9a: {  	s5 =	simm.s32 $_scs_section_size  }
0x9b: {  	s6 =	simm.s32 $_size__tile_overlayer_lowered;
	s7 =	simm.s32 $_tile_overlayer_lowered  }
0x9c: {  	s22 =	simm.s32 $0x1BFF;
	s21 =	sshll.u32 s7, $0x1;
	s4 =	sadd.s32 s5, s19  }
0x9d: {  	s8 =	simm.s32 $0x0;
	s20 =	sshll.u32 s6, $0x1;
	s6 =	sadd.s32 s21, s4  }
0x9e: {  	[timem:s8], [sflag:s22] =	dma.local [hbm:s6], s20  }
0x9f: {  	_ =	swait.ge [sflag:s22], s20  }
0xa0: {  	s5 =	ssub.s32 $0x0, s20;
	[sflag:s22] =	ssyncset.done $0x0  }
0xa1: {  	[sflag:s22] =	ssyncadd.s32 s5;
	_ =	sdelay $0x1  }
0xa2: {  	s23 =	simm.s32 $0x1B8B  }
0xa3: {  	_ =	swait.ge [sflag:s23], $0x1  }
0xa4: {  	[sflag:s23] =	ssyncset.done $0x0  }
0xa5: {  	s25 =	simm.s32 $0x1B8E;
	s24 =	sld [smem:$0x3FFE];
	[sflag:s23] =	ssyncadd.s32 $0xFFFFFFFF  }
0xa6: {  	s26 =	simm.s32 $execute0_lowered;
	[smem:$0x3FD2] =	sst s25  }
0xa7: {  	s6 =	sshll.u32 s26, $0x1;
	_ =	strace $0x80000046;
	[dreg:$0x1] =	wrdreg $0xFFFFFFFF  }
0xa8: {  	s28 =	simm.s32 $_size_execute0_lowered;
	s4 =	sadd.s32 s4, s6;
	[dreg:$0x0] =	wrdreg $0x0  }
0xa9: {  	s6 =	sshll.u32 s28, $0x1;
	[dreg:$0x2] =	wrdreg s4  }
0xaa: {  	[dreg:$0x3] =	wrdreg s6  }
0xab: {  	[dreg:$0x4] =	wrdreg $0xC0  }
0xac: {  	_ =	task [dreg:s8], $0x5FFFF  }
0xad: {  	[dreg:$0x1] =	wrdreg $0xFFFFFFFF  }
0xae: {  	[dreg:$0x0] =	wrdreg $0x60  }
0xaf: {  	[dreg:$0x2] =	wrdreg s2  }
0xb0: {  	[dreg:$0x3] =	wrdreg s24  }
0xb1: {  	[dreg:$0x4] =	wrdreg s18  }
0xb2: {  	[dreg:$0x5] =	wrdreg $0x9  }
0xb3: {  	_ =	task.clear_ibuf [dreg:s8], $0x6FFFF;
	_ =	strace $0x90000046  }
0xb4: {  	s29 =	simm.s32 $0x9;
	_ =	strace $0x80000048  }
0xb5: {  	_ =	swait.ge [sflag:s29], $0x1  }
0xb6: {  	[sflag:s29] =	ssyncadd.s32 $0xFFFFFFFF  }
0xb7: {  	_ =	strace $0x90000048  }
0xb8: {  	_ =	sfence  }
0xb9: {  	s30 =	sld [smem:$0x0];
	_ =	sdelay $0x2  }
0xba: {  	s31 =	sshll.u32 s1, $0xD;
	s1 =	sshrl.u32 s1, $0x2  }
0xbb: {  	s3 =	sand.u32 $0x4000, s31;
	s1 =	sadd.s32 s1, s30  }
0xbc: {  	s0 =	sor.u32 s3, s0;
	s1 =	sshll.u32 s1, $0x11  }
0xbd: {  	s0 =	sor.u32 s1, s0  }
0xbe: {  	s0 =	sadd.s32 $0x8F2B, s0  }
0xbf: {  	[sflag:s0] =	ssyncadd.remote.s32 $0x1  }
0xc0: {  	_ =	sfence.sel $0xFFFF  }
0xc1: {  	[dreg:$0x0] =	wrdreg $0xFFFFFFFF;
	(pc) =	sbr.abs _section_cstart, $3  }
0xc2: {  	[dreg:$0x1] =	wrdreg $0xFFFFFFFF  }
0xc3: {  	_ =	task.clear_ibuf [dreg:s8], $0x2FFFF;
	_ =	strace $0x9FFFFFFF  }
0xc4: {  	(tm) =	ssettm $0x7FFFFFFF  }
0xc5: {  	_ =	shalt  }
tec
execute0_lowered:
.L_overlay_start_1:
0x0: {  	(tag) =	ssettag $0x1  }
0x1: {  	s5 =	rddreg [dreg:$0x0]  }
0x2: {  	s6 =	rddreg [dreg:$0x1];
	s3 =	simm.s32 $0x0  }
0x3: {  	[smem:$0x7FF] =	sst s3  }
0x4: {  	s1 =	rddreg [dreg:$0x2];
	v0 =	vimm.f32 $7.000000000e+00;
	_ =	strace $0x80000047  }
0x5: {  	s4 =	srdreg.scid;
	(erf) = vrcp.f32 v0  }
0x6: {  	s0 =	stileid.u32;
	s10 =	simm.s32 $0x80;
	s11 =	simm.s32 $0x400  }
0x7: {  	s12 =	simm.s32 $0x4000;
	s13 =	simm.s32 $0x800;
	s7 =	sand.u32 $0x1, s4  }
0x8: {  	s14 =	simm.s32 $0x8000;
	s28 =	sshll.u32 s0, $0x2;
	s8 =	sshll.u32 s7, $0x1  }
0x9: {  	s15 =	simm.s32 $0x7000;
	s16 =	simm.s32 $0xF000;
	s4 =	sor.u32 s8, s28  }
0xa: {  	s17 =	simm.s32 $0x1;
	s29 =	sshll.u32 s0, $0xB;
	s9 =	sshll.u32 s4, $0x4  }
0xb: {  	s18 =	simm.s32 $0x2;
	s7 =	ssub.s32 $0x2, s7;
	s8 =	sor.u32 s29, s9  }
0xc: {  	s19 =	simm.s32 $0x0;
	s30 =	sshrl.u32 s7, $0x1;
	s8 =	sand.u32 $0x7060, s8  }
0xd: {  	s6 =	sadd.s32 $0x400, s6;
	s31 =	ssub.s32 s7, s30;
	s5 =	sadd.s32 s5, s8  }
0xe: {  	s9 =	simm.s32 $0x3;
	s8 =	smax.u32 s31, $0x1;
	s7 =	sadd.s32 $0x10, s5;
	v0 =	vpop (erf)  }
.LBB2_1:
0xf: {  	[tilespmem:s3], [sflag:$0x3] =	stream.linear.gather [hbm4b:s6+s3], $0x4000, $0x38;
	[tilespmem:$0x17000] =	vst v63  }
0x10: {  	_ =	swait.ge [sflag:s9], $0x4000  }
0x11: {  	[sflag:s9] =	ssyncset.done $0x0  }
0x12: {  	[sflag:s9] =	ssyncadd.s32 $0xFFFFC000  }
0x13: {  	[tilespmem:s12], [sflag:$0x3] =	stream.strided.gather [hbm4b:s5+s10], $0x1000, s11, s10, $0x38;
	[tilespmem:$0x17000] =	vst v63  }
0x14: {  	_ =	swait.ge [sflag:s9], $0x1000  }
0x15: {  	[sflag:s9] =	ssyncset.done $0x0  }
0x16: {  	s21 =	simm.s32 $0x0;
	[sflag:s9] =	ssyncadd.s32 $0xFFFFF000  }
0x17: {  	v1 =	vimm.f32 $0.0e+00;
	s20 =	simm.s32 $0x40;
	v2 =	vld [tilespmem:s21+$0x4000]  }
.LBB2_2:
0x18: {  	p0 =	sne.s32 s20, $0x3FC0  }
.Ltmp0:
0x19: {  	_ = 	snop;
	(pc) =	sbr.rel @p0 .LBB2_2-.Ltmp0, $3  }
0x1a: {  	_ =	sdelay $0x1  }
0x1b: {  	s21 =	sshra.s32 s20, $0x2;
	s20 =	sadd.s32 $0x40, s20;
	v1 =	vadd.f32 v2, v1  }
0x1c: {  	v2 =	vld [tilespmem:s21+$0x4000]  }
0x1d: {  	_ =	sdelay $0x3  }
0x1e: {  	v1 =	vadd.f32 v2, v1;
	_ =	sdelay $0x1  }
0x1f: {  	(v2sf) =	vpush v1, $0x0  }
0x20: {  	(v2sf) =	vpush v1, $0x1;
	_ =	sdelay $0x1  }
0x21: {  	(v2sf) =	vpush v1, $0x2;
	_ =	sdelay $0x1  }
0x22: {  	(v2sf) =	vpush v1, $0x3;
	_ =	sdelay $0x1  }
0x23: {  	(v2sf) =	vpush v1, $0x4;
	_ =	sdelay $0x1  }
0x24: {  	(v2sf) =	vpush v1, $0x5;
	_ =	sdelay $0x1  }
0x25: {  	(v2sf) =	vpush v1, $0x6;
	_ =	sdelay $0x1  }
0x26: {  	(v2sf) =	vpush v1, $0x7;
	_ =	sdelay $0x1  }
0x27: {  	s20 =	spop (v2sf);
	(v2sf) =	vpush v1, $0x8  }
0x28: {  	s21 =	spop (v2sf)  }
0x29: {  	(v2sf) =	vpush v1, $0x9;
	s20 =	sadd.f32 s21, s20  }
0x2a: {  	s28 =	spop (v2sf)  }
0x2b: {  	(v2sf) =	vpush v1, $0xA;
	s20 =	sadd.f32 s20, s28  }
0x2c: {  	s29 =	spop (v2sf)  }
0x2d: {  	(v2sf) =	vpush v1, $0xB;
	s20 =	sadd.f32 s20, s29  }
0x2e: {  	s30 =	spop (v2sf)  }
0x2f: {  	(v2sf) =	vpush v1, $0xC;
	s20 =	sadd.f32 s20, s30  }
0x30: {  	s31 =	spop (v2sf)  }
0x31: {  	(v2sf) =	vpush v1, $0xD;
	s20 =	sadd.f32 s20, s31  }
0x32: {  	s0 =	spop (v2sf)  }
0x33: {  	(v2sf) =	vpush v1, $0xE;
	s20 =	sadd.f32 s20, s0  }
0x34: {  	s2 =	spop (v2sf)  }
0x35: {  	(v2sf) =	vpush v1, $0xF;
	s20 =	sadd.f32 s20, s2  }
0x36: {  	s22 =	spop (v2sf)  }
0x37: {  	s20 =	sadd.f32 s20, s22  }
0x38: {  	s23 =	spop (v2sf)  }
0x39: {  	s20 =	sadd.f32 s20, s23  }
0x3a: {  	s24 =	spop (v2sf)  }
0x3b: {  	s20 =	sadd.f32 s20, s24  }
0x3c: {  	s25 =	spop (v2sf)  }
0x3d: {  	s20 =	sadd.f32 s20, s25  }
0x3e: {  	s26 =	spop (v2sf)  }
0x3f: {  	s20 =	sadd.f32 s20, s26  }
0x40: {  	s28 =	spop (v2sf)  }
0x41: {  	s20 =	sadd.f32 s20, s28  }
0x42: {  	s29 =	spop (v2sf)  }
0x43: {  	s20 =	sadd.f32 s20, s29  }
0x44: {  	s30 =	spop (v2sf)  }
0x45: {  	s31 =	simm.s32 $0x0;
	s20 =	sadd.f32 s20, s30  }
0x46: {  	v3 =	vld [tilespmem:s31+$0x4000]  }
0x47: {  	s20 =	smul.f32 $2.441406250e-04, s20;
	_ =	sdelay $0x1  }
0x48: {  	v2 =	vimm.f32 $0.0e+00;
	v1 =	vmov s20;
	s20 =	simm.s32 $0x40  }
.LBB2_4:
0x49: {  	p0 =	sne.s32 s20, $0x3FC0  }
.Ltmp1:
0x4a: {  	s21 =	sshra.s32 s20, $0x2;
	s20 =	sadd.s32 $0x40, s20;
	v4 =	vsub.f32 v3, v1;
	(pc) =	sbr.rel @p0 .LBB2_4-.Ltmp1, $3  }
0x4b: {  	v3 =	vld [tilespmem:s21+$0x4000]  }
0x4c: {  	v4 =	vmul.f32 v4, v4;
	_ =	sdelay $0x1  }
0x4d: {  	v2 =	vadd.f32 v4, v2  }
0x4e: {  	_ = 	snop  }
0x4f: {  	v3 =	vsub.f32 v3, v1;
	_ =	sdelay $0x1  }
0x50: {  	v3 =	vmul.f32 v3, v3;
	_ =	sdelay $0x1  }
0x51: {  	v2 =	vadd.f32 v3, v2;
	_ =	sdelay $0x1  }
0x52: {  	(v2sf) =	vpush v2, $0x0  }
0x53: {  	(v2sf) =	vpush v2, $0x1;
	_ =	sdelay $0x1  }
0x54: {  	(v2sf) =	vpush v2, $0x2;
	_ =	sdelay $0x1  }
0x55: {  	(v2sf) =	vpush v2, $0x3;
	_ =	sdelay $0x1  }
0x56: {  	(v2sf) =	vpush v2, $0x4;
	_ =	sdelay $0x1  }
0x57: {  	(v2sf) =	vpush v2, $0x5;
	_ =	sdelay $0x1  }
0x58: {  	(v2sf) =	vpush v2, $0x6;
	_ =	sdelay $0x1  }
0x59: {  	(v2sf) =	vpush v2, $0x7;
	_ =	sdelay $0x1  }
0x5a: {  	s20 =	spop (v2sf);
	(v2sf) =	vpush v2, $0x8  }
0x5b: {  	s21 =	spop (v2sf)  }
0x5c: {  	(v2sf) =	vpush v2, $0x9;
	s20 =	sadd.f32 s21, s20  }
0x5d: {  	s29 =	spop (v2sf)  }
0x5e: {  	(v2sf) =	vpush v2, $0xA;
	s20 =	sadd.f32 s20, s29  }
0x5f: {  	s30 =	spop (v2sf)  }
0x60: {  	(v2sf) =	vpush v2, $0xB;
	s20 =	sadd.f32 s20, s30  }
0x61: {  	s31 =	spop (v2sf)  }
0x62: {  	(v2sf) =	vpush v2, $0xC;
	s20 =	sadd.f32 s20, s31  }
0x63: {  	s0 =	spop (v2sf)  }
0x64: {  	(v2sf) =	vpush v2, $0xD;
	s20 =	sadd.f32 s20, s0  }
0x65: {  	s2 =	spop (v2sf)  }
0x66: {  	(v2sf) =	vpush v2, $0xE;
	s20 =	sadd.f32 s20, s2  }
0x67: {  	s22 =	spop (v2sf)  }
0x68: {  	(v2sf) =	vpush v2, $0xF;
	s20 =	sadd.f32 s20, s22  }
0x69: {  	s23 =	spop (v2sf)  }
0x6a: {  	s20 =	sadd.f32 s20, s23  }
0x6b: {  	s24 =	spop (v2sf)  }
0x6c: {  	s20 =	sadd.f32 s20, s24  }
0x6d: {  	s25 =	spop (v2sf)  }
0x6e: {  	s20 =	sadd.f32 s20, s25  }
0x6f: {  	s26 =	spop (v2sf)  }
0x70: {  	s20 =	sadd.f32 s20, s26  }
0x71: {  	s28 =	spop (v2sf)  }
0x72: {  	s20 =	sadd.f32 s20, s28  }
0x73: {  	s29 =	spop (v2sf)  }
0x74: {  	s20 =	sadd.f32 s20, s29  }
0x75: {  	s30 =	spop (v2sf)  }
0x76: {  	s20 =	sadd.f32 s20, s30  }
0x77: {  	s31 =	spop (v2sf)  }
0x78: {  	s20 =	sadd.f32 s20, s31;
	_ =	sdelay $0x1  }
0x79: {  	s20 =	smul.f32 $2.442002590e-04, s20;
	_ =	sdelay $0x1  }
0x7a: {  	v2 =	vmov s20  }
0x7b: {  	v3 =	vshrl.u32 v2, $0x1;
	v2 =	vmul.f32 $5.000000000e-01, v2  }
0x7c: {  	v3 =	vsub.s32 $0x5F3759DF, v3  }
0x7d: {  	v4 =	vmul.f32 v3, v2;
	_ =	sdelay $0x1  }
0x7e: {  	v4 =	vmul.f32 v3, v4;
	_ =	sdelay $0x1  }
0x7f: {  	v4 =	vsub.f32 $1.500000000e+00, v4;
	_ =	sdelay $0x1  }
0x80: {  	v3 =	vmul.f32 v3, v4;
	_ =	sdelay $0x1  }
0x81: {  	v4 =	vmul.f32 v3, v2;
	_ =	sdelay $0x1  }
0x82: {  	v4 =	vmul.f32 v4, v3;
	_ =	sdelay $0x1  }
0x83: {  	v4 =	vsub.f32 $1.500000000e+00, v4;
	_ =	sdelay $0x1  }
0x84: {  	v3 =	vmul.f32 v4, v3;
	_ =	sdelay $0x1  }
0x85: {  	v2 =	vmul.f32 v3, v2;
	_ =	sdelay $0x1  }
0x86: {  	v2 =	vmul.f32 v2, v3;
	_ =	sdelay $0x1  }
0x87: {  	v2 =	vsub.f32 $1.500000000e+00, v2;
	_ =	sdelay $0x1  }
0x88: {  	v2 =	vmul.f32 v2, v3;
	_ =	sdelay $0x1  }
0x89: {  	v2 =	vmul.f32 s20, v2;
	_ =	sdelay $0x1  }
0x8a: {  	v2 =	vadd.f32 $9.999999930e-09, v2;
	_ =	sdelay $0x1  }
0x8b: {  	(erf) = vrcp.f32 v2;
	_ =	sdelay $0x1  }
0x8c: {  	s21 =	simm.s32 $0x0  }
0x8d: {  	v2 =	vld [tilespmem:s21+$0x4000];
	_ =	sdelay $0x3  }
0x8e: {  	s20 =	simm.s32 $0x10  }
0x8f: {  	v4 =	vld [tilespmem:s20+$0x4000];
	v3 =	vsub.f32 v2, v1  }
0x90: {  	v2 =	vpop (erf)  }
0x91: {  	v3 =	vmul.f32 v3, v2;
	_ =	sdelay $0x1  }
0x92: {  	v3 =	vmax.f32 v3, $-3.500000000e+00  }
0x93: {  	v4 =	vsub.f32 v4, v1;
	v3 =	vmin.f32 v3, $3.500000000e+00  }
0x94: {  	s22 =	simm.s32 $0x20;
	v3 =	vadd.f32 $3.500000000e+00, v3  }
0x95: {  	v5 =	vld [tilespmem:s22+$0x4000];
	v4 =	vmul.f32 v4, v2  }
0x96: {  	v3 =	vmul.f32 v3, v0  }
0x97: {  	v4 =	vmax.f32 v4, $-3.500000000e+00  }
0x98: {  	v4 =	vmin.f32 v4, $3.500000000e+00;
	v3 =	vmul.f32 $1.280000000e+02, v3  }
0x99: {  	v4 =	vadd.f32 $3.500000000e+00, v4  }
0x9a: {  	s23 =	simm.s32 $0x30;
	v5 =	vsub.f32 v5, v1;
	v3 =	vtrunc.f32 v3  }
0x9b: {  	v6 =	vmul.f32 v4, v0;
	v4 =	vld [tilespmem:s23+$0x4000];
	v3 =	vcvt.f32.s32 v3  }
0x9c: {  	v5 =	vmul.f32 v5, v2  }
0x9d: {  	vm0 =	vgt.s32 v3, $0x0  }
0x9e: {  	v7 =	vmax.f32 v5, $-3.500000000e+00;
	v5 =	vmul.f32 $1.280000000e+02, v6;
	v3 =	vnsel vm0, $0x0, v3  }
0x9f: {  	s24 =	simm.s32 $0x100;
	v6 =	vmin.f32 v7, $3.500000000e+00;
	v3 =	vmin.u32 v3, $0x7F  }
.LBB2_6:
0xa0: {  	s25 =	sshra.s32 s24, $0x2;
	p0 =	sne.s32 s24, $0x3FC0;
	s24 =	sadd.s32 $0x40, s24;
	v7 =	vsub.f32 v4, v1;
	v6 =	vadd.f32 $3.500000000e+00, v6;
	v5 =	vtrunc.f32 v5;
	[tilespmem:s21+$0x5000] =	vst v3  }
.Ltmp2:
0xa1: {  	s21 =	smov.u32 s20;
	s20 =	smov.u32 s22;
	v4 =	vld [tilespmem:s25+$0x4000];
	v3 =	vcvt.f32.s32 v5;
	(pc) =	sbr.rel @p0 .LBB2_6-.Ltmp2, $4  }
0xa2: {  	s22 =	smov.u32 s23;
	s23 =	smov.u32 s25;
	v5 =	vmul.f32 v7, v2;
	v6 =	vmul.f32 v6, v0  }
0xa3: {  	vm0 =	vgt.s32 v3, $0x0  }
0xa4: {  	v7 =	vmax.f32 v5, $-3.500000000e+00;
	v5 =	vmul.f32 $1.280000000e+02, v6;
	v3 =	vnsel vm0, $0x0, v3  }
0xa5: {  	v6 =	vmin.f32 v7, $3.500000000e+00;
	v3 =	vmin.u32 v3, $0x7F  }
0xa6: {  	v1 =	vsub.f32 v4, v1;
	_ =	sdelay $0x1  }
0xa7: {  	v1 =	vmul.f32 v1, v2;
	_ =	sdelay $0x1  }
0xa8: {  	v1 =	vmax.f32 v1, $-3.500000000e+00  }
0xa9: {  	v2 =	vadd.f32 $3.500000000e+00, v6;
	v1 =	vmin.f32 v1, $3.500000000e+00  }
0xaa: {  	v1 =	vadd.f32 $3.500000000e+00, v1  }
0xab: {  	v2 =	vmul.f32 v2, v0  }
0xac: {  	v1 =	vmul.f32 v1, v0  }
0xad: {  	v2 =	vmul.f32 $1.280000000e+02, v2  }
0xae: {  	v63 =	vtrunc.f32 v5;
	v1 =	vmul.f32 $1.280000000e+02, v1  }
0xaf: {  	v4 =	vcvt.f32.s32 v63;
	v2 =	vtrunc.f32 v2  }
0xb0: {  	v2 =	vcvt.f32.s32 v2;
	v1 =	vtrunc.f32 v1  }
0xb1: {  	vm0 =	vgt.s32 v4, $0x0;
	v1 =	vcvt.f32.s32 v1  }
0xb2: {  	v4 =	vnsel vm0, $0x0, v4;
	vm14 =	vgt.s32 v2, $0x0  }
0xb3: {  	[tilespmem:s21+$0x5000] =	vst v3;
	v3 =	vmin.u32 v4, $0x7F;
	v2 =	vnsel vm14, $0x0, v2;
	vm15 =	vgt.s32 v1, $0x0  }
0xb4: {  	[tilespmem:s20+$0x5000] =	vst v3;
	v2 =	vmin.u32 v2, $0x7F;
	v1 =	vnsel vm15, $0x0, v1  }
0xb5: {  	[tilespmem:s22+$0x5000] =	vst v2;
	v1 =	vmin.u32 v1, $0x7F  }
0xb6: {  	[tilespmem:s23+$0x5000] =	vst v1  }
0xb7: {  	[tilespmem:s12], [sflag:$0x3] =	stream.strided.gather [hbm4b:s7+s10], $0x1000, s11, s10, $0x38;
	[tilespmem:$0x17000] =	vst v63  }
0xb8: {  	_ =	swait.ge [sflag:s9], $0x1000  }
0xb9: {  	[sflag:s9] =	ssyncset.done $0x0  }
0xba: {  	s31 =	simm.s32 $0x0;
	[sflag:s9] =	ssyncadd.s32 $0xFFFFF000  }
0xbb: {  	s20 =	simm.s32 $0x40;
	v1 =	vimm.f32 $0.0e+00;
	v2 =	vld [tilespmem:s31+$0x4000]  }
.LBB2_8:
0xbc: {  	p0 =	sne.s32 s20, $0x3FC0  }
.Ltmp3:
0xbd: {  	_ = 	snop;
	(pc) =	sbr.rel @p0 .LBB2_8-.Ltmp3, $3  }
0xbe: {  	_ =	sdelay $0x1  }
0xbf: {  	s21 =	sshra.s32 s20, $0x2;
	s20 =	sadd.s32 $0x40, s20;
	v1 =	vadd.f32 v2, v1  }
0xc0: {  	v2 =	vld [tilespmem:s21+$0x4000]  }
0xc1: {  	_ =	sdelay $0x3  }
0xc2: {  	v1 =	vadd.f32 v2, v1;
	_ =	sdelay $0x1  }
0xc3: {  	(v2sf) =	vpush v1, $0x0  }
0xc4: {  	(v2sf) =	vpush v1, $0x1;
	_ =	sdelay $0x1  }
0xc5: {  	(v2sf) =	vpush v1, $0x2;
	_ =	sdelay $0x1  }
0xc6: {  	(v2sf) =	vpush v1, $0x3;
	_ =	sdelay $0x1  }
0xc7: {  	(v2sf) =	vpush v1, $0x4;
	_ =	sdelay $0x1  }
0xc8: {  	(v2sf) =	vpush v1, $0x5;
	_ =	sdelay $0x1  }
0xc9: {  	(v2sf) =	vpush v1, $0x6;
	_ =	sdelay $0x1  }
0xca: {  	(v2sf) =	vpush v1, $0x7;
	_ =	sdelay $0x1  }
0xcb: {  	s20 =	spop (v2sf);
	(v2sf) =	vpush v1, $0x8  }
0xcc: {  	s21 =	spop (v2sf)  }
0xcd: {  	(v2sf) =	vpush v1, $0x9;
	s20 =	sadd.f32 s21, s20  }
0xce: {  	s28 =	spop (v2sf)  }
0xcf: {  	(v2sf) =	vpush v1, $0xA;
	s20 =	sadd.f32 s20, s28  }
0xd0: {  	s29 =	spop (v2sf)  }
0xd1: {  	(v2sf) =	vpush v1, $0xB;
	s20 =	sadd.f32 s20, s29  }
0xd2: {  	s30 =	spop (v2sf)  }
0xd3: {  	(v2sf) =	vpush v1, $0xC;
	s20 =	sadd.f32 s20, s30  }
0xd4: {  	s31 =	spop (v2sf)  }
0xd5: {  	(v2sf) =	vpush v1, $0xD;
	s20 =	sadd.f32 s20, s31  }
0xd6: {  	s0 =	spop (v2sf)  }
0xd7: {  	(v2sf) =	vpush v1, $0xE;
	s20 =	sadd.f32 s20, s0  }
0xd8: {  	s2 =	spop (v2sf)  }
0xd9: {  	(v2sf) =	vpush v1, $0xF;
	s20 =	sadd.f32 s20, s2  }
0xda: {  	s22 =	spop (v2sf)  }
0xdb: {  	s20 =	sadd.f32 s20, s22  }
0xdc: {  	s23 =	spop (v2sf)  }
0xdd: {  	s20 =	sadd.f32 s20, s23  }
0xde: {  	s24 =	spop (v2sf)  }
0xdf: {  	s20 =	sadd.f32 s20, s24  }
0xe0: {  	s25 =	spop (v2sf)  }
0xe1: {  	s20 =	sadd.f32 s20, s25  }
0xe2: {  	s26 =	spop (v2sf)  }
0xe3: {  	s20 =	sadd.f32 s20, s26  }
0xe4: {  	s28 =	spop (v2sf)  }
0xe5: {  	s20 =	sadd.f32 s20, s28  }
0xe6: {  	s29 =	spop (v2sf)  }
0xe7: {  	s20 =	sadd.f32 s20, s29  }
0xe8: {  	s30 =	spop (v2sf)  }
0xe9: {  	s31 =	simm.s32 $0x0;
	s20 =	sadd.f32 s20, s30  }
0xea: {  	v3 =	vld [tilespmem:s31+$0x4000]  }
0xeb: {  	s20 =	smul.f32 $2.441406250e-04, s20;
	_ =	sdelay $0x1  }
0xec: {  	v2 =	vimm.f32 $0.0e+00;
	v1 =	vmov s20;
	s20 =	simm.s32 $0x40  }
.LBB2_10:
0xed: {  	p0 =	sne.s32 s20, $0x3FC0  }
.Ltmp4:
0xee: {  	s21 =	sshra.s32 s20, $0x2;
	s20 =	sadd.s32 $0x40, s20;
	v4 =	vsub.f32 v3, v1;
	(pc) =	sbr.rel @p0 .LBB2_10-.Ltmp4, $3  }
0xef: {  	v3 =	vld [tilespmem:s21+$0x4000]  }
0xf0: {  	v4 =	vmul.f32 v4, v4;
	_ =	sdelay $0x1  }
0xf1: {  	v2 =	vadd.f32 v4, v2  }
0xf2: {  	_ = 	snop  }
0xf3: {  	v3 =	vsub.f32 v3, v1;
	_ =	sdelay $0x1  }
0xf4: {  	v3 =	vmul.f32 v3, v3;
	_ =	sdelay $0x1  }
0xf5: {  	v2 =	vadd.f32 v3, v2;
	_ =	sdelay $0x1  }
0xf6: {  	(v2sf) =	vpush v2, $0x0  }
0xf7: {  	(v2sf) =	vpush v2, $0x1;
	_ =	sdelay $0x1  }
0xf8: {  	(v2sf) =	vpush v2, $0x2;
	_ =	sdelay $0x1  }
0xf9: {  	(v2sf) =	vpush v2, $0x3;
	_ =	sdelay $0x1  }
0xfa: {  	(v2sf) =	vpush v2, $0x4;
	_ =	sdelay $0x1  }
0xfb: {  	(v2sf) =	vpush v2, $0x5;
	_ =	sdelay $0x1  }
0xfc: {  	(v2sf) =	vpush v2, $0x6;
	_ =	sdelay $0x1  }
0xfd: {  	(v2sf) =	vpush v2, $0x7;
	_ =	sdelay $0x1  }
0xfe: {  	s20 =	spop (v2sf);
	(v2sf) =	vpush v2, $0x8  }
0xff: {  	s21 =	spop (v2sf)  }
0x100: {  	(v2sf) =	vpush v2, $0x9;
	s20 =	sadd.f32 s21, s20  }
0x101: {  	s29 =	spop (v2sf)  }
0x102: {  	(v2sf) =	vpush v2, $0xA;
	s20 =	sadd.f32 s20, s29  }
0x103: {  	s30 =	spop (v2sf)  }
0x104: {  	(v2sf) =	vpush v2, $0xB;
	s20 =	sadd.f32 s20, s30  }
0x105: {  	s31 =	spop (v2sf)  }
0x106: {  	(v2sf) =	vpush v2, $0xC;
	s20 =	sadd.f32 s20, s31  }
0x107: {  	s0 =	spop (v2sf)  }
0x108: {  	(v2sf) =	vpush v2, $0xD;
	s20 =	sadd.f32 s20, s0  }
0x109: {  	s2 =	spop (v2sf)  }
0x10a: {  	(v2sf) =	vpush v2, $0xE;
	s20 =	sadd.f32 s20, s2  }
0x10b: {  	s22 =	spop (v2sf)  }
0x10c: {  	(v2sf) =	vpush v2, $0xF;
	s20 =	sadd.f32 s20, s22  }
0x10d: {  	s23 =	spop (v2sf)  }
0x10e: {  	s20 =	sadd.f32 s20, s23  }
0x10f: {  	s24 =	spop (v2sf)  }
0x110: {  	s20 =	sadd.f32 s20, s24  }
0x111: {  	s25 =	spop (v2sf)  }
0x112: {  	s20 =	sadd.f32 s20, s25  }
0x113: {  	s26 =	spop (v2sf)  }
0x114: {  	s20 =	sadd.f32 s20, s26  }
0x115: {  	s28 =	spop (v2sf)  }
0x116: {  	s20 =	sadd.f32 s20, s28  }
0x117: {  	s29 =	spop (v2sf)  }
0x118: {  	s20 =	sadd.f32 s20, s29  }
0x119: {  	s30 =	spop (v2sf)  }
0x11a: {  	s20 =	sadd.f32 s20, s30  }
0x11b: {  	s31 =	spop (v2sf)  }
0x11c: {  	s20 =	sadd.f32 s20, s31;
	_ =	sdelay $0x1  }
0x11d: {  	s20 =	smul.f32 $2.442002590e-04, s20;
	_ =	sdelay $0x1  }
0x11e: {  	v2 =	vmov s20  }
0x11f: {  	v3 =	vshrl.u32 v2, $0x1;
	v2 =	vmul.f32 $5.000000000e-01, v2  }
0x120: {  	v3 =	vsub.s32 $0x5F3759DF, v3  }
0x121: {  	v4 =	vmul.f32 v3, v2;
	_ =	sdelay $0x1  }
0x122: {  	v4 =	vmul.f32 v3, v4;
	_ =	sdelay $0x1  }
0x123: {  	v4 =	vsub.f32 $1.500000000e+00, v4;
	_ =	sdelay $0x1  }
0x124: {  	v3 =	vmul.f32 v3, v4;
	_ =	sdelay $0x1  }
0x125: {  	v4 =	vmul.f32 v3, v2;
	_ =	sdelay $0x1  }
0x126: {  	v4 =	vmul.f32 v4, v3;
	_ =	sdelay $0x1  }
0x127: {  	v4 =	vsub.f32 $1.500000000e+00, v4;
	_ =	sdelay $0x1  }
0x128: {  	v3 =	vmul.f32 v4, v3;
	_ =	sdelay $0x1  }
0x129: {  	v2 =	vmul.f32 v3, v2;
	_ =	sdelay $0x1  }
0x12a: {  	v2 =	vmul.f32 v2, v3;
	_ =	sdelay $0x1  }
0x12b: {  	v2 =	vsub.f32 $1.500000000e+00, v2;
	_ =	sdelay $0x1  }
0x12c: {  	v2 =	vmul.f32 v2, v3;
	_ =	sdelay $0x1  }
0x12d: {  	v2 =	vmul.f32 s20, v2;
	_ =	sdelay $0x1  }
0x12e: {  	v2 =	vadd.f32 $9.999999930e-09, v2;
	_ =	sdelay $0x1  }
0x12f: {  	(erf) = vrcp.f32 v2;
	_ =	sdelay $0x7  }
0x130: {  	s22 =	simm.s32 $0x4000  }
0x131: {  	s21 =	simm.s32 $0x0;
	s23 =	simm.s32 $0x10;
	v3 =	vld [tilespmem:s22+$0x0];
	s20 =	simm.s32 $0x0;
	v2 =	vpop (erf)  }
.LBB2_12:
0x132: {  	p0 =	sne.s32 s23, $0xFF0;
	_ =	sdelay $0x3  }
0x133: {  	v3 =	vsub.f32 v3, v1;
	_ =	sdelay $0x1  }
0x134: {  	v3 =	vmul.f32 v3, v2;
	_ =	sdelay $0x1  }
0x135: {  	v3 =	vmax.f32 v3, $-3.500000000e+00  }
0x136: {  	v3 =	vmin.f32 v3, $3.500000000e+00  }
0x137: {  	v3 =	vadd.f32 $3.500000000e+00, v3;
	_ =	sdelay $0x1  }
0x138: {  	v3 =	vmul.f32 v3, v0;
	_ =	sdelay $0x1  }
0x139: {  	v3 =	vmul.f32 $1.280000000e+02, v3;
	_ =	sdelay $0x1  }
0x13a: {  	v3 =	vtrunc.f32 v3  }
0x13b: {  	v3 =	vcvt.f32.s32 v3;
	_ =	sdelay $0x1  }
.Ltmp5:
0x13c: {  	vm0 =	vgt.s32 v3, $0x0;
	(pc) =	sbr.rel @p0 .LBB2_12-.Ltmp5, $4  }
0x13d: {  	v3 =	vnsel vm0, $0x0, v3  }
0x13e: {  	s24 =	sand.u32 $0xFF0, s21;
	s21 =	smov.u32 s23;
	v3 =	vmin.u32 v3, $0x7F  }
0x13f: {  	s22 =	sadd.s32 $0x10, s22;
	[tilespmem:s24+$0x6000] =	vst v3  }
0x140: {  	s23 =	sadd.s32 $0x10, s23;
	v3 =	vld [tilespmem:s22+$0x0]  }
0x141: {  	_ =	sdelay $0x3  }
0x142: {  	v1 =	vsub.f32 v3, v1;
	_ =	sdelay $0x1  }
0x143: {  	v1 =	vmul.f32 v1, v2;
	_ =	sdelay $0x1  }
0x144: {  	v1 =	vmax.f32 v1, $-3.500000000e+00  }
0x145: {  	v1 =	vmin.f32 v1, $3.500000000e+00  }
0x146: {  	v1 =	vadd.f32 $3.500000000e+00, v1;
	_ =	sdelay $0x1  }
0x147: {  	v1 =	vmul.f32 v1, v0;
	_ =	sdelay $0x1  }
0x148: {  	v1 =	vmul.f32 $1.280000000e+02, v1;
	_ =	sdelay $0x1  }
0x149: {  	v1 =	vtrunc.f32 v1  }
0x14a: {  	v1 =	vcvt.f32.s32 v1;
	_ =	sdelay $0x1  }
0x14b: {  	vm0 =	vgt.s32 v1, $0x0  }
0x14c: {  	v1 =	vnsel vm0, $0x0, v1  }
0x14d: {  	s21 =	sand.u32 $0xFF0, s21;
	v1 =	vmin.u32 v1, $0x7F  }
0x14e: {  	[tilespmem:s21+$0x6000] =	vst v1  }
.LBB2_14:
0x14f: {  	s28 =	sshrl.u32 s20, $0x3;
	p0 =	seq.s32 s20, $0x0  }
0x150: {  	s23 =	simm.s32 @!p0 $0x1;
	s21 =	sshll.u32 s28, $0xE  }
0x151: {  	s22 =	sshll.u32 s20, $0x9;
	_ =	swait.ge @!p0 [sflag:s23], $0x8000;
	s21 =	sshra.s32 s21, $0x2  }
0x152: {  	s22 =	sand.u32 $0xE00, s22;
	[sflag:s23] =	ssyncset.done @!p0 $0x0;
	s21 =	sadd.s32 $0x5000, s21  }
0x153: {  	[sflag:s23] =	ssyncadd.s32 @!p0 $0xFFFF8000;
	s0 =	sor.u32 s22, s21  }
0x154: {  	v9 =	vld [tilespmem:s0+$0x0]  }
0x155: {  	v10 =	vld [tilespmem:s0+$0x10]  }
0x156: {  	v11 =	vld [tilespmem:s0+$0x20]  }
0x157: {  	v12 =	vld [tilespmem:s0+$0x30]  }
0x158: {  	v13 =	vld [tilespmem:s0+$0x40]  }
0x159: {  	v14 =	vld [tilespmem:s0+$0x50]  }
0x15a: {  	v15 =	vld [tilespmem:s0+$0x60]  }
0x15b: {  	v16 =	vld [tilespmem:s0+$0x70]  }
0x15c: {  	v8 =	vld [tilespmem:s0+$0x80];
	v1 =	vadd.s32 $0x80, v9  }
0x15d: {  	v6 =	vld [tilespmem:s0+$0x90]  }
0x15e: {  	v3 =	vld [tilespmem:s0+$0xA0]  }
0x15f: {  	v4 =	vld [tilespmem:s0+$0xB0]  }
0x160: {  	v19 =	vld.idx.msk [tilespmem:v9+s3+$0x0], $0xffff  }
0x161: {  	v17 =	vld.idx.msk [tilespmem:v1+s3+$0x0], $0xffff  }
0x162: {  	s24 =	simm.s32 $0x0;
	v7 =	vld [tilespmem:s0+$0xC0];
	v18 =	vadd.s32 $0x80, v10  }
0x163: {  	s25 =	sand.u32 $0x7800, s24;
	s24 =	sand.u32 $0x300, s24;
	v5 =	vld [tilespmem:s0+$0xD0]  }
0x164: {  	s23 =	sor.u32 s24, s25;
	v2 =	vld [tilespmem:s0+$0xE0]  }
0x165: {  	v1 =	vld [tilespmem:s0+$0xF0];
	[tilespmem:s23+$0x7000] =	vst v19  }
0x166: {  	v19 =	vld.idx.msk [tilespmem:v10+s3+$0x0], $0xffff;
	[tilespmem:s23+$0x7080] =	vst v17  }
0x167: {  	v17 =	vld.idx.msk [tilespmem:v18+s3+$0x0], $0xffff  }
0x168: {  	v18 =	vadd.s32 $0x80, v11;
	_ =	sdelay $0x2  }
0x169: {  	[tilespmem:s23+$0x7010] =	vst v19  }
0x16a: {  	v19 =	vld.idx.msk [tilespmem:v11+s3+$0x0], $0xffff;
	[tilespmem:s23+$0x7090] =	vst v17  }
0x16b: {  	v17 =	vld.idx.msk [tilespmem:v18+s3+$0x0], $0xffff  }
0x16c: {  	v18 =	vadd.s32 $0x80, v12;
	_ =	sdelay $0x1  }
0x16d: {  	v9 =	vadd.s32 $0x100, v9  }
0x16e: {  	[tilespmem:s23+$0x7020] =	vst v19;
	v19 =	vadd.s32 $0x80, v9  }
0x16f: {  	v20 =	vld.idx.msk [tilespmem:v12+s3+$0x0], $0xffff;
	[tilespmem:s23+$0x70A0] =	vst v17  }
0x170: {  	v17 =	vld.idx.msk [tilespmem:v18+s3+$0x0], $0xffff  }
0x171: {  	v18 =	vadd.s32 $0x80, v13;
	_ =	sdelay $0x1  }
0x172: {  	v10 =	vadd.s32 $0x100, v10;
	v19 =	vld.idx.msk [tilespmem:v19+s3+$0x0], $0xffff  }
0x173: {  	v21 =	vadd.s32 $0x80, v10;
	[tilespmem:s23+$0x7030] =	vst v20;
	v20 =	vld.idx.msk [tilespmem:v9+s3+$0x0], $0xffff  }
0x174: {  	s2 =	simm.s32 $0x100;
	s26 =	simm.s32 $0x200;
	v22 =	vld.idx.msk [tilespmem:v13+s3+$0x0], $0xffff;
	[tilespmem:s23+$0x70B0] =	vst v17  }
0x175: {  	s25 =	sand.u32 $0x7800, s26;
	s24 =	sand.u32 $0x300, s2;
	v17 =	vld.idx.msk [tilespmem:v18+s3+$0x0], $0xffff  }
0x176: {  	s24 =	sor.u32 s24, s25;
	v18 =	vadd.s32 $0x80, v14  }
0x177: {  	[tilespmem:s24+$0x7080] =	vst v19  }
0x178: {  	v11 =	vadd.s32 $0x100, v11;
	[tilespmem:s24+$0x7000] =	vst v20;
	v19 =	vld.idx.msk [tilespmem:v21+s3+$0x0], $0xffff  }
0x179: {  	v21 =	vadd.s32 $0x80, v11;
	[tilespmem:s23+$0x7040] =	vst v22;
	v20 =	vld.idx.msk [tilespmem:v10+s3+$0x0], $0xffff  }
0x17a: {  	v22 =	vld.idx.msk [tilespmem:v14+s3+$0x0], $0xffff;
	[tilespmem:s23+$0x70C0] =	vst v17  }
0x17b: {  	v17 =	vld.idx.msk [tilespmem:v18+s3+$0x0], $0xffff  }
0x17c: {  	v18 =	vadd.s32 $0x80, v15  }
0x17d: {  	[tilespmem:s24+$0x7090] =	vst v19  }
0x17e: {  	v12 =	vadd.s32 $0x100, v12;
	[tilespmem:s24+$0x7010] =	vst v20;
	v19 =	vld.idx.msk [tilespmem:v21+s3+$0x0], $0xffff  }
0x17f: {  	v21 =	vadd.s32 $0x80, v12;
	[tilespmem:s23+$0x7050] =	vst v22;
	v20 =	vld.idx.msk [tilespmem:v11+s3+$0x0], $0xffff  }
0x180: {  	v22 =	vld.idx.msk [tilespmem:v15+s3+$0x0], $0xffff;
	[tilespmem:s23+$0x70D0] =	vst v17  }
0x181: {  	v17 =	vld.idx.msk [tilespmem:v18+s3+$0x0], $0xffff  }
0x182: {  	v18 =	vadd.s32 $0x80, v16  }
0x183: {  	[tilespmem:s24+$0x70A0] =	vst v19  }
0x184: {  	v13 =	vadd.s32 $0x100, v13;
	[tilespmem:s24+$0x7020] =	vst v20;
	v19 =	vld.idx.msk [tilespmem:v21+s3+$0x0], $0xffff  }
0x185: {  	v21 =	vadd.s32 $0x80, v13;
	[tilespmem:s23+$0x7060] =	vst v22;
	v20 =	vld.idx.msk [tilespmem:v12+s3+$0x0], $0xffff  }
0x186: {  	v22 =	vld.idx.msk [tilespmem:v16+s3+$0x0], $0xffff;
	[tilespmem:s23+$0x70E0] =	vst v17  }
0x187: {  	v17 =	vld.idx.msk [tilespmem:v18+s3+$0x0], $0xffff  }
0x188: {  	v18 =	vadd.s32 $0x80, v8  }
0x189: {  	[tilespmem:s24+$0x70B0] =	vst v19  }
0x18a: {  	v9 =	vadd.s32 $0x100, v9;
	v14 =	vadd.s32 $0x100, v14;
	[tilespmem:s24+$0x7030] =	vst v20;
	v19 =	vld.idx.msk [tilespmem:v21+s3+$0x0], $0xffff  }
0x18b: {  	v21 =	vadd.s32 $0x80, v14;
	[tilespmem:s23+$0x7070] =	vst v22;
	v20 =	vld.idx.msk [tilespmem:v13+s3+$0x0], $0xffff  }
0x18c: {  	v22 =	vld.idx.msk [tilespmem:v8+s3+$0x0], $0xffff;
	[tilespmem:s23+$0x70F0] =	vst v17  }
0x18d: {  	v17 =	vld.idx.msk [tilespmem:v18+s3+$0x0], $0xffff  }
0x18e: {  	v18 =	vadd.s32 $0x80, v6  }
0x18f: {  	v23 =	vadd.s32 $0x80, v9;
	v24 =	vld.idx.msk [tilespmem:v9+s3+$0x0], $0xffff;
	[tilespmem:s24+$0x70C0] =	vst v19  }
0x190: {  	v10 =	vadd.s32 $0x100, v10;
	v15 =	vadd.s32 $0x100, v15;
	[tilespmem:s24+$0x7040] =	vst v20;
	v19 =	vld.idx.msk [tilespmem:v21+s3+$0x0], $0xffff  }
0x191: {  	s26 =	simm.s32 $0x400;
	s0 =	simm.s32 $0x200;
	v21 =	vadd.s32 $0x80, v15;
	[tilespmem:s23+$0x7400] =	vst v22;
	v20 =	vld.idx.msk [tilespmem:v14+s3+$0x0], $0xffff  }
0x192: {  	s26 =	sand.u32 $0x7800, s26;
	s25 =	sand.u32 $0x300, s0;
	v22 =	vld.idx.msk [tilespmem:v6+s3+$0x0], $0xffff;
	[tilespmem:s23+$0x7480] =	vst v17  }
0x193: {  	s25 =	sor.u32 s25, s26;
	v17 =	vld.idx.msk [tilespmem:v18+s3+$0x0], $0xffff  }
0x194: {  	[tilespmem:s25+$0x7000] =	vst v24;
	v18 =	vld.idx.msk [tilespmem:v23+s3+$0x0], $0xffff;
	v23 =	vadd.s32 $0x80, v3  }
0x195: {  	v25 =	vadd.s32 $0x80, v10;
	v24 =	vld.idx.msk [tilespmem:v10+s3+$0x0], $0xffff;
	[tilespmem:s24+$0x70D0] =	vst v19  }
0x196: {  	v11 =	vadd.s32 $0x100, v11;
	v16 =	vadd.s32 $0x100, v16;
	[tilespmem:s24+$0x7050] =	vst v20;
	v19 =	vld.idx.msk [tilespmem:v21+s3+$0x0], $0xffff  }
0x197: {  	v21 =	vadd.s32 $0x80, v16;
	v20 =	vld.idx.msk [tilespmem:v15+s3+$0x0], $0xffff;
	[tilespmem:s23+$0x7410] =	vst v22  }
0x198: {  	v22 =	vld.idx.msk [tilespmem:v3+s3+$0x0], $0xffff;
	[tilespmem:s23+$0x7490] =	vst v17  }
0x199: {  	[tilespmem:s25+$0x7080] =	vst v18;
	v17 =	vld.idx.msk [tilespmem:v23+s3+$0x0], $0xffff  }
0x19a: {  	[tilespmem:s25+$0x7010] =	vst v24;
	v18 =	vld.idx.msk [tilespmem:v25+s3+$0x0], $0xffff;
	v23 =	vadd.s32 $0x80, v4  }
0x19b: {  	v24 =	vld.idx.msk [tilespmem:v11+s3+$0x0], $0xffff;
	v25 =	vadd.s32 $0x80, v11;
	[tilespmem:s24+$0x70E0] =	vst v19  }
0x19c: {  	[tilespmem:s24+$0x7060] =	vst v20;
	v19 =	vld.idx.msk [tilespmem:v21+s3+$0x0], $0xffff  }
0x19d: {  	v12 =	vadd.s32 $0x100, v12;
	v20 =	vadd.s32 $0x100, v8;
	v8 =	vld.idx.msk [tilespmem:v16+s3+$0x0], $0xffff;
	[tilespmem:s23+$0x7420] =	vst v22  }
0x19e: {  	v22 =	vld.idx.msk [tilespmem:v4+s3+$0x0], $0xffff;
	[tilespmem:s23+$0x74A0] =	vst v17  }
0x19f: {  	v21 =	vadd.s32 $0x80, v20;
	[tilespmem:s25+$0x7090] =	vst v18;
	v17 =	vld.idx.msk [tilespmem:v23+s3+$0x0], $0xffff  }
0x1a0: {  	[tilespmem:s25+$0x7020] =	vst v24;
	v18 =	vld.idx.msk [tilespmem:v25+s3+$0x0], $0xffff;
	v23 =	vadd.s32 $0x80, v7  }
0x1a1: {  	v25 =	vadd.s32 $0x80, v12;
	[tilespmem:s24+$0x70F0] =	vst v19  }
0x1a2: {  	v24 =	vld.idx.msk [tilespmem:v12+s3+$0x0], $0xffff;
	[tilespmem:s24+$0x7070] =	vst v8  }
0x1a3: {  	v19 =	vld.idx.msk [tilespmem:v20+s3+$0x0], $0xffff;
	[tilespmem:s23+$0x7430] =	vst v22;
	v22 =	vadd.s32 $0x100, v9  }
0x1a4: {  	v13 =	vadd.s32 $0x100, v13;
	v8 =	vld.idx.msk [tilespmem:v21+s3+$0x0], $0xffff;
	[tilespmem:s23+$0x74B0] =	vst v17  }
0x1a5: {  	[tilespmem:s25+$0x70A0] =	vst v18;
	v17 =	vld.idx.msk [tilespmem:v23+s3+$0x0], $0xffff  }
0x1a6: {  	v18 =	vld.idx.msk [tilespmem:v25+s3+$0x0], $0xffff;
	v23 =	vadd.s32 $0x80, v5  }
0x1a7: {  	v26 =	vadd.s32 $0x100, v6;
	[tilespmem:s25+$0x7030] =	vst v24;
	v25 =	vadd.s32 $0x80, v13  }
0x1a8: {  	v9 =	vadd.s32 $0x80, v26;
	[tilespmem:s24+$0x7400] =	vst v19;
	v19 =	vld.idx.msk [tilespmem:v22+s3+$0x0], $0xffff  }
0x1a9: {  	v24 =	vld.idx.msk [tilespmem:v13+s3+$0x0], $0xffff;
	[tilespmem:s24+$0x7480] =	vst v8;
	v8 =	vadd.s32 $0x100, v10  }
0x1aa: {  	s29 =	simm.s32 $0x300;
	s30 =	simm.s32 $0x600;
	v6 =	vadd.s32 $0x100, v14;
	v21 =	vld.idx.msk [tilespmem:v7+s3+$0x0], $0xffff;
	[tilespmem:s23+$0x74C0] =	vst v17  }
0x1ab: {  	s31 =	sand.u32 $0x300, s29;
	s2 =	sand.u32 $0x7800, s30;
	v17 =	vadd.s32 $0x80, v22;
	[tilespmem:s25+$0x70B0] =	vst v18;
	v18 =	vld.idx.msk [tilespmem:v23+s3+$0x0], $0xffff  }
0x1ac: {  	s26 =	sor.u32 s31, s2;
	v14 =	vadd.s32 $0x80, v2;
	v23 =	vld.idx.msk [tilespmem:v25+s3+$0x0], $0xffff  }
0x1ad: {  	v27 =	vld.idx.msk [tilespmem:v9+s3+$0x0], $0xffff;
	v25 =	vadd.s32 $0x80, v6;
	[tilespmem:s26+$0x7000] =	vst v19  }
0x1ae: {  	[tilespmem:s25+$0x7040] =	vst v24;
	v19 =	vld.idx.msk [tilespmem:v8+s3+$0x0], $0xffff  }
0x1af: {  	v3 =	vadd.s32 $0x100, v3;
	v11 =	vadd.s32 $0x100, v11;
	[tilespmem:s23+$0x7440] =	vst v21;
	v21 =	vld.idx.msk [tilespmem:v6+s3+$0x0], $0xffff  }
0x1b0: {  	v10 =	vadd.s32 $0x80, v3;
	v17 =	vld.idx.msk [tilespmem:v17+s3+$0x0], $0xffff;
	[tilespmem:s23+$0x74D0] =	vst v18  }
0x1b1: {  	v18 =	vadd.s32 $0x80, v8;
	[tilespmem:s25+$0x70C0] =	vst v23;
	v14 =	vld.idx.msk [tilespmem:v14+s3+$0x0], $0xffff  }
0x1b2: {  	v9 =	vadd.s32 $0x100, v15;
	[tilespmem:s24+$0x7490] =	vst v27;
	v23 =	vld.idx.msk [tilespmem:v25+s3+$0x0], $0xffff  }
0x1b3: {  	v24 =	vadd.s32 $0x80, v9;
	v25 =	vld.idx.msk [tilespmem:v26+s3+$0x0], $0xffff;
	[tilespmem:s26+$0x7010] =	vst v19  }
0x1b4: {  	v15 =	vadd.s32 $0x80, v1;
	[tilespmem:s25+$0x7050] =	vst v21;
	v19 =	vld.idx.msk [tilespmem:v11+s3+$0x0], $0xffff  }
0x1b5: {  	v4 =	vadd.s32 $0x100, v4;
	[tilespmem:s26+$0x7080] =	vst v17;
	v17 =	vld.idx.msk [tilespmem:v10+s3+$0x0], $0xffff  }
0x1b6: {  	v27 =	vadd.s32 $0x80, v4;
	v18 =	vld.idx.msk [tilespmem:v18+s3+$0x0], $0xffff;
	[tilespmem:s23+$0x74E0] =	vst v14  }
0x1b7: {  	v14 =	vadd.s32 $0x80, v11;
	[tilespmem:s25+$0x70D0] =	vst v23;
	v23 =	vld.idx.msk [tilespmem:v9+s3+$0x0], $0xffff  }
0x1b8: {  	v21 =	vld.idx.msk [tilespmem:v24+s3+$0x0], $0xffff  }
0x1b9: {  	v10 =	vadd.s32 $0x100, v16;
	[tilespmem:s24+$0x7410] =	vst v25;
	v15 =	vld.idx.msk [tilespmem:v15+s3+$0x0], $0xffff  }
0x1ba: {  	v16 =	vadd.s32 $0x80, v10;
	v24 =	vld.idx.msk [tilespmem:v3+s3+$0x0], $0xffff;
	[tilespmem:s24+$0x74A0] =	vst v17  }
0x1bb: {  	v7 =	vadd.s32 $0x100, v7;
	[tilespmem:s26+$0x7090] =	vst v18;
	v17 =	vld.idx.msk [tilespmem:v27+s3+$0x0], $0xffff  }
0x1bc: {  	v25 =	vadd.s32 $0x80, v7;
	v18 =	vld.idx.msk [tilespmem:v14+s3+$0x0], $0xffff;
	[tilespmem:s25+$0x7060] =	vst v23  }
0x1bd: {  	v14 =	vadd.s32 $0x100, v12;
	[tilespmem:s25+$0x70E0] =	vst v21;
	v21 =	vld.idx.msk [tilespmem:v5+s3+$0x0], $0xffff  }
0x1be: {  	[tilespmem:s23+$0x74F0] =	vst v15;
	v15 =	vadd.s32 $0x80, v14;
	v27 =	vld.idx.msk [tilespmem:v10+s3+$0x0], $0xffff  }
0x1bf: {  	[tilespmem:s24+$0x7420] =	vst v24;
	v16 =	vld.idx.msk [tilespmem:v16+s3+$0x0], $0xffff  }
0x1c0: {  	v12 =	vadd.s32 $0x100, v20;
	v28 =	vld.idx.msk [tilespmem:v4+s3+$0x0], $0xffff;
	[tilespmem:s24+$0x74B0] =	vst v17  }
0x1c1: {  	[tilespmem:s26+$0x7020] =	vst v19;
	v20 =	vadd.s32 $0x80, v12;
	v29 =	vld.idx.msk [tilespmem:v25+s3+$0x0], $0xffff  }
0x1c2: {  	v5 =	vadd.s32 $0x100, v5;
	[tilespmem:s26+$0x70A0] =	vst v18;
	v23 =	vld.idx.msk [tilespmem:v14+s3+$0x0], $0xffff  }
0x1c3: {  	v19 =	vadd.s32 $0x80, v5;
	v24 =	vld.idx.msk [tilespmem:v15+s3+$0x0], $0xffff;
	[tilespmem:s23+$0x7450] =	vst v21;
	v15 =	vadd.s32 $0x100, v13  }
0x1c4: {  	[tilespmem:s25+$0x7070] =	vst v27;
	v17 =	vld.idx.msk [tilespmem:v2+s3+$0x0], $0xffff;
	v25 =	vadd.s32 $0x80, v15  }
0x1c5: {  	[tilespmem:s25+$0x70F0] =	vst v16;
	v21 =	vld.idx.msk [tilespmem:v12+s3+$0x0], $0xffff  }
0x1c6: {  	v13 =	vadd.s32 $0x100, v26;
	[tilespmem:s24+$0x7430] =	vst v28;
	v20 =	vld.idx.msk [tilespmem:v20+s3+$0x0], $0xffff  }
0x1c7: {  	s28 =	sor.u32 s4, s28;
	s31 =	simm.s32 $0x6;
	v16 =	vadd.s32 $0x100, v22;
	v22 =	vadd.s32 $0x80, v13;
	v18 =	vld.idx.msk [tilespmem:v7+s3+$0x0], $0xffff;
	[tilespmem:s24+$0x74C0] =	vst v29  }
.LBB2_15:
0x1c8: {  	v26 =	vadd.s32 $0x80, v16;
	s31 =	sadd.s32 $0x2, s31;
	[tilespmem:s26+$0x70B0] =	vst v24;
	v19 =	vld.idx.msk [tilespmem:v19+s3+$0x0], $0xffff  }
0x1c9: {  	v2 =	vadd.s32 $0x100, v2;
	p1 =	slt.u32 s31, $0x7E;
	[tilespmem:s26+$0x7030] =	vst v23;
	v23 =	vld.idx.msk [tilespmem:v25+s3+$0x0], $0xffff  }
0x1ca: {  	v6 =	vadd.s32 $0x100, v6;
	v25 =	vadd.s32 $0x80, v2;
	v24 =	vld.idx.msk [tilespmem:v15+s3+$0x0], $0xffff;
	[tilespmem:s23+$0x7460] =	vst v17  }
0x1cb: {  	v17 =	vadd.s32 $0x80, v6;
	[tilespmem:s25+$0x7480] =	vst v20;
	v20 =	vld.idx.msk [tilespmem:v1+s3+$0x0], $0xffff  }
0x1cc: {  	[tilespmem:s25+$0x7400] =	vst v21;
	v21 =	vld.idx.msk [tilespmem:v22+s3+$0x0], $0xffff  }
0x1cd: {  	v3 =	vadd.s32 $0x100, v3;
	v22 =	vld.idx.msk [tilespmem:v26+s3+$0x0], $0xffff;
	[tilespmem:s24+$0x7440] =	vst v18  }
0x1ce: {  	v8 =	vadd.s32 $0x100, v8;
	v26 =	vadd.s32 $0x80, v3;
	v18 =	vld.idx.msk [tilespmem:v16+s3+$0x0], $0xffff;
	[tilespmem:s24+$0x74D0] =	vst v19  }
0x1cf: {  	v19 =	vadd.s32 $0x80, v8;
	[tilespmem:s26+$0x70C0] =	vst v23;
	v23 =	vld.idx.msk [tilespmem:v25+s3+$0x0], $0xffff  }
0x1d0: {  	s29 =	sadd.s32 $0x100, s29;
	s30 =	sadd.s32 $0x200, s30;
	v1 =	vadd.s32 $0x100, v1;
	[tilespmem:s26+$0x7040] =	vst v24;
	v17 =	vld.idx.msk [tilespmem:v17+s3+$0x0], $0xffff  }
0x1d1: {  	v9 =	vadd.s32 $0x100, v9;
	s0 =	sand.u32 $0x7800, s30;
	s2 =	sand.u32 $0x300, s29;
	v25 =	vadd.s32 $0x80, v1;
	v24 =	vld.idx.msk [tilespmem:v6+s3+$0x0], $0xffff;
	[tilespmem:s23+$0x7470] =	vst v20;
	s23 =	smov.u32 s24  }
0x1d2: {  	v20 =	vadd.s32 $0x80, v9;
	s24 =	smov.u32 s25;
	v27 =	vld.idx.msk [tilespmem:v13+s3+$0x0], $0xffff;
	[tilespmem:s25+$0x7490] =	vst v21;
	s25 =	smov.u32 s26;
	s26 =	sor.u32 s2, s0  }
0x1d3: {  	[tilespmem:s26+$0x7080] =	vst v22;
	v21 =	vld.idx.msk [tilespmem:v26+s3+$0x0], $0xffff  }
0x1d4: {  	v4 =	vadd.s32 $0x100, v4;
	[tilespmem:s26+$0x7000] =	vst v18;
	v18 =	vld.idx.msk [tilespmem:v19+s3+$0x0], $0xffff  }
0x1d5: {  	v11 =	vadd.s32 $0x100, v11;
	v22 =	vadd.s32 $0x80, v4;
	v19 =	vld.idx.msk [tilespmem:v8+s3+$0x0], $0xffff;
	[tilespmem:s23+$0x74E0] =	vst v23  }
0x1d6: {  	v23 =	vadd.s32 $0x80, v11;
	[tilespmem:s25+$0x70D0] =	vst v17;
	v17 =	vld.idx.msk [tilespmem:v25+s3+$0x0], $0xffff  }
0x1d7: {  	[tilespmem:s25+$0x7050] =	vst v24;
	v20 =	vld.idx.msk [tilespmem:v20+s3+$0x0], $0xffff  }
0x1d8: {  	v10 =	vadd.s32 $0x100, v10;
	v24 =	vld.idx.msk [tilespmem:v9+s3+$0x0], $0xffff;
	[tilespmem:s24+$0x7410] =	vst v27  }
0x1d9: {  	v25 =	vadd.s32 $0x80, v10;
	v26 =	vld.idx.msk [tilespmem:v3+s3+$0x0], $0xffff;
	[tilespmem:s24+$0x74A0] =	vst v21  }
0x1da: {  	[tilespmem:s26+$0x7090] =	vst v18;
	v18 =	vld.idx.msk [tilespmem:v22+s3+$0x0], $0xffff  }
0x1db: {  	v7 =	vadd.s32 $0x100, v7;
	[tilespmem:s26+$0x7010] =	vst v19;
	v19 =	vld.idx.msk [tilespmem:v23+s3+$0x0], $0xffff  }
0x1dc: {  	v14 =	vadd.s32 $0x100, v14;
	v22 =	vadd.s32 $0x80, v7;
	v21 =	vld.idx.msk [tilespmem:v11+s3+$0x0], $0xffff;
	[tilespmem:s23+$0x74F0] =	vst v17  }
0x1dd: {  	v17 =	vadd.s32 $0x80, v14;
	[tilespmem:s25+$0x70E0] =	vst v20;
	v20 =	vld.idx.msk [tilespmem:v5+s3+$0x0], $0xffff  }
0x1de: {  	[tilespmem:s25+$0x7060] =	vst v24;
	v27 =	vld.idx.msk [tilespmem:v25+s3+$0x0], $0xffff  }
0x1df: {  	v12 =	vadd.s32 $0x100, v12;
	v28 =	vld.idx.msk [tilespmem:v10+s3+$0x0], $0xffff;
	[tilespmem:s24+$0x7420] =	vst v26  }
0x1e0: {  	v26 =	vadd.s32 $0x80, v12;
	v29 =	vld.idx.msk [tilespmem:v4+s3+$0x0], $0xffff;
	[tilespmem:s24+$0x74B0] =	vst v18  }
0x1e1: {  	[tilespmem:s26+$0x70A0] =	vst v19;
	v30 =	vld.idx.msk [tilespmem:v22+s3+$0x0], $0xffff  }
0x1e2: {  	v5 =	vadd.s32 $0x100, v5;
	[tilespmem:s26+$0x7020] =	vst v21;
	v24 =	vld.idx.msk [tilespmem:v17+s3+$0x0], $0xffff  }
.Ltmp6:
0x1e3: {  	v15 =	vadd.s32 $0x100, v15;
	v19 =	vadd.s32 $0x80, v5;
	v23 =	vld.idx.msk [tilespmem:v14+s3+$0x0], $0xffff;
	[tilespmem:s23+$0x7450] =	vst v20;
	(pc) =	sbr.rel @p1 .LBB2_15-.Ltmp6, $4  }
0x1e4: {  	v25 =	vadd.s32 $0x80, v15;
	[tilespmem:s25+$0x70F0] =	vst v27;
	v17 =	vld.idx.msk [tilespmem:v2+s3+$0x0], $0xffff  }
0x1e5: {  	[tilespmem:s25+$0x7070] =	vst v28;
	v20 =	vld.idx.msk [tilespmem:v26+s3+$0x0], $0xffff  }
0x1e6: {  	v13 =	vadd.s32 $0x100, v13;
	v21 =	vld.idx.msk [tilespmem:v12+s3+$0x0], $0xffff;
	[tilespmem:s24+$0x7430] =	vst v29  }
0x1e7: {  	v16 =	vadd.s32 $0x100, v16;
	v22 =	vadd.s32 $0x80, v13;
	v18 =	vld.idx.msk [tilespmem:v7+s3+$0x0], $0xffff;
	[tilespmem:s24+$0x74C0] =	vst v30  }
0x1e8: {  	_ =	sdelay $0x2  }
0x1e9: {  	[tilespmem:s26+$0x70B0] =	vst v24  }
0x1ea: {  	[tilespmem:s26+$0x7030] =	vst v23;
	v6 =	vadd.s32 $0x100, v6;
	v8 =	vld.idx.msk [tilespmem:v25+s3+$0x0], $0xffff  }
0x1eb: {  	v11 =	vld.idx.msk [tilespmem:v15+s3+$0x0], $0xffff;
	v14 =	vadd.s32 $0x80, v6;
	_ =	sdelay $0x3  }
0x1ec: {  	[tilespmem:s26+$0x70C0] =	vst v8  }
0x1ed: {  	v9 =	vadd.s32 $0x100, v9;
	[tilespmem:s26+$0x7040] =	vst v11;
	v8 =	vld.idx.msk [tilespmem:v14+s3+$0x0], $0xffff  }
0x1ee: {  	v11 =	vadd.s32 $0x80, v9;
	v6 =	vld.idx.msk [tilespmem:v6+s3+$0x0], $0xffff;
	_ =	sdelay $0x3  }
0x1ef: {  	[tilespmem:s26+$0x70D0] =	vst v8  }
0x1f0: {  	[tilespmem:s26+$0x7050] =	vst v6;
	v8 =	vadd.s32 $0x100, v10;
	v6 =	vld.idx.msk [tilespmem:v11+s3+$0x0], $0xffff  }
0x1f1: {  	v9 =	vld.idx.msk [tilespmem:v9+s3+$0x0], $0xffff;
	v10 =	vadd.s32 $0x80, v8;
	_ =	sdelay $0x3  }
0x1f2: {  	[tilespmem:s26+$0x70E0] =	vst v6  }
0x1f3: {  	[tilespmem:s26+$0x7060] =	vst v9;
	v9 =	vadd.s32 $0x100, v12;
	v6 =	vld.idx.msk [tilespmem:v10+s3+$0x0], $0xffff  }
0x1f4: {  	v8 =	vld.idx.msk [tilespmem:v8+s3+$0x0], $0xffff;
	v10 =	vadd.s32 $0x80, v9;
	_ =	sdelay $0x3  }
0x1f5: {  	[tilespmem:s26+$0x70F0] =	vst v6  }
0x1f6: {  	[tilespmem:s26+$0x7070] =	vst v8;
	v8 =	vadd.s32 $0x100, v13;
	v6 =	vld.idx.msk [tilespmem:v10+s3+$0x0], $0xffff  }
0x1f7: {  	v9 =	vld.idx.msk [tilespmem:v9+s3+$0x0], $0xffff;
	v10 =	vadd.s32 $0x80, v8;
	_ =	sdelay $0x1  }
0x1f8: {  	[tilespmem:s25+$0x7480] =	vst v20  }
0x1f9: {  	v3 =	vadd.s32 $0x100, v3;
	[tilespmem:s25+$0x7400] =	vst v21;
	v11 =	vld.idx.msk [tilespmem:v22+s3+$0x0], $0xffff  }
0x1fa: {  	v12 =	vadd.s32 $0x80, v3;
	v13 =	vld.idx.msk [tilespmem:v13+s3+$0x0], $0xffff;
	[tilespmem:s26+$0x7480] =	vst v6  }
0x1fb: {  	[tilespmem:s26+$0x7400] =	vst v9;
	v9 =	vadd.s32 $0x100, v3;
	v6 =	vld.idx.msk [tilespmem:v10+s3+$0x0], $0xffff  }
0x1fc: {  	v10 =	vadd.s32 $0x80, v9;
	v8 =	vld.idx.msk [tilespmem:v8+s3+$0x0], $0xffff;
	_ =	sdelay $0x1  }
0x1fd: {  	[tilespmem:s25+$0x7490] =	vst v11  }
0x1fe: {  	v4 =	vadd.s32 $0x100, v4;
	v11 =	vld.idx.msk [tilespmem:v12+s3+$0x0], $0xffff;
	[tilespmem:s25+$0x7410] =	vst v13  }
0x1ff: {  	v12 =	vadd.s32 $0x80, v4;
	v3 =	vld.idx.msk [tilespmem:v3+s3+$0x0], $0xffff;
	[tilespmem:s26+$0x7490] =	vst v6  }
0x200: {  	[tilespmem:s26+$0x7410] =	vst v8;
	v6 =	vld.idx.msk [tilespmem:v10+s3+$0x0], $0xffff;
	v10 =	vadd.s32 $0x100, v4  }
0x201: {  	v9 =	vld.idx.msk [tilespmem:v9+s3+$0x0], $0xffff;
	v8 =	vadd.s32 $0x80, v10;
	_ =	sdelay $0x1  }
0x202: {  	[tilespmem:s25+$0x74A0] =	vst v11  }
0x203: {  	v7 =	vadd.s32 $0x100, v7;
	v11 =	vld.idx.msk [tilespmem:v12+s3+$0x0], $0xffff;
	[tilespmem:s25+$0x7420] =	vst v3  }
0x204: {  	v3 =	vadd.s32 $0x80, v7;
	v4 =	vld.idx.msk [tilespmem:v4+s3+$0x0], $0xffff;
	[tilespmem:s26+$0x74A0] =	vst v6  }
0x205: {  	[tilespmem:s26+$0x7420] =	vst v9;
	v6 =	vld.idx.msk [tilespmem:v8+s3+$0x0], $0xffff;
	v8 =	vadd.s32 $0x100, v7  }
0x206: {  	v10 =	vld.idx.msk [tilespmem:v10+s3+$0x0], $0xffff;
	v9 =	vadd.s32 $0x80, v8  }
0x207: {  	[tilespmem:s23+$0x7460] =	vst v17  }
0x208: {  	v12 =	vld.idx.msk [tilespmem:v19+s3+$0x0], $0xffff;
	[tilespmem:s25+$0x74B0] =	vst v11  }
0x209: {  	v11 =	vadd.s32 $0x100, v5;
	v3 =	vld.idx.msk [tilespmem:v3+s3+$0x0], $0xffff;
	[tilespmem:s25+$0x7430] =	vst v4  }
0x20a: {  	v4 =	vadd.s32 $0x80, v11;
	v7 =	vld.idx.msk [tilespmem:v7+s3+$0x0], $0xffff;
	[tilespmem:s26+$0x74B0] =	vst v6  }
0x20b: {  	[tilespmem:s26+$0x7430] =	vst v10;
	v6 =	vld.idx.msk [tilespmem:v9+s3+$0x0], $0xffff;
	v9 =	vadd.s32 $0x100, v11  }
0x20c: {  	[tilespmem:s24+$0x7440] =	vst v18;
	v8 =	vld.idx.msk [tilespmem:v8+s3+$0x0], $0xffff;
	v10 =	vadd.s32 $0x80, v9  }
0x20d: {  	v2 =	vadd.s32 $0x100, v2;
	v13 =	vld.idx.msk [tilespmem:v1+s3+$0x0], $0xffff;
	[tilespmem:s24+$0x74D0] =	vst v12  }
0x20e: {  	v12 =	vadd.s32 $0x80, v2;
	v5 =	vld.idx.msk [tilespmem:v5+s3+$0x0], $0xffff;
	[tilespmem:s25+$0x74C0] =	vst v3  }
0x20f: {  	v3 =	vld.idx.msk [tilespmem:v4+s3+$0x0], $0xffff;
	v4 =	vadd.s32 $0x100, v2;
	[tilespmem:s25+$0x7440] =	vst v7  }
0x210: {  	v7 =	vadd.s32 $0x80, v4;
	v11 =	vld.idx.msk [tilespmem:v11+s3+$0x0], $0xffff;
	[tilespmem:s26+$0x74C0] =	vst v6  }
0x211: {  	[tilespmem:s26+$0x7440] =	vst v8;
	v6 =	vld.idx.msk [tilespmem:v10+s3+$0x0], $0xffff;
	v10 =	vadd.s32 $0x100, v4  }
0x212: {  	[tilespmem:s23+$0x7470] =	vst v13;
	v9 =	vld.idx.msk [tilespmem:v9+s3+$0x0], $0xffff;
	v8 =	vadd.s32 $0x80, v10  }
0x213: {  	v1 =	vadd.s32 $0x100, v1;
	v12 =	vld.idx.msk [tilespmem:v12+s3+$0x0], $0xffff;
	[tilespmem:s24+$0x7450] =	vst v5  }
0x214: {  	v5 =	vadd.s32 $0x80, v1;
	v2 =	vld.idx.msk [tilespmem:v2+s3+$0x0], $0xffff;
	[tilespmem:s25+$0x74D0] =	vst v3  }
0x215: {  	v3 =	vld.idx.msk [tilespmem:v7+s3+$0x0], $0xffff;
	v7 =	vadd.s32 $0x100, v1;
	[tilespmem:s25+$0x7450] =	vst v11  }
0x216: {  	v11 =	vadd.s32 $0x80, v7;
	v4 =	vld.idx.msk [tilespmem:v4+s3+$0x0], $0xffff;
	[tilespmem:s26+$0x74D0] =	vst v6  }
0x217: {  	[tilespmem:s26+$0x7450] =	vst v9;
	v6 =	vld.idx.msk [tilespmem:v8+s3+$0x0], $0xffff;
	v8 =	vadd.s32 $0x100, v7  }
0x218: {  	[tilespmem:s24+$0x74E0] =	vst v12;
	v10 =	vld.idx.msk [tilespmem:v10+s3+$0x0], $0xffff;
	v9 =	vadd.s32 $0x80, v8  }
0x219: {  	v5 =	vld.idx.msk [tilespmem:v5+s3+$0x0], $0xffff;
	[tilespmem:s24+$0x7460] =	vst v2  }
0x21a: {  	v1 =	vld.idx.msk [tilespmem:v1+s3+$0x0], $0xffff;
	[tilespmem:s25+$0x74E0] =	vst v3  }
0x21b: {  	v2 =	vld.idx.msk [tilespmem:v11+s3+$0x0], $0xffff;
	[tilespmem:s25+$0x7460] =	vst v4  }
0x21c: {  	v3 =	vld.idx.msk [tilespmem:v7+s3+$0x0], $0xffff;
	[tilespmem:s26+$0x74E0] =	vst v6  }
0x21d: {  	[tilespmem:s26+$0x7460] =	vst v10;
	v4 =	vld.idx.msk [tilespmem:v9+s3+$0x0], $0xffff  }
0x21e: {  	[tilespmem:s24+$0x74F0] =	vst v5;
	v5 =	vld.idx.msk [tilespmem:v8+s3+$0x0], $0xffff  }
0x21f: {  	[tilespmem:s24+$0x7470] =	vst v1  }
0x220: {  	[tilespmem:s25+$0x74F0] =	vst v2  }
0x221: {  	[tilespmem:s25+$0x7470] =	vst v3  }
0x222: {  	s0 =	sadd.s32 s1, s22;
	s23 =	sshll.u32 s28, $0x10;
	[tilespmem:s26+$0x74F0] =	vst v4  }
0x223: {  	s0 =	sadd.s32 s23, s0;
	[tilespmem:s26+$0x7470] =	vst v5  }
0x224: {  	[hbm4b:s0+s13] =	stream.strided.scatter [tilespmem:s15], [sflag:$0x1], $0x8000, s14, s13, $0x38;
	[tilespmem:$0x17000] =	vst v63  }
0x225: {  	s0 =	simm.s32 @!p0 $0x2  }
0x226: {  	_ =	swait.ge @!p0 [sflag:s0], $0x8000  }
0x227: {  	s22 =	sor.u32 $0x100, s22;
	[sflag:s0] =	ssyncset.done @!p0 $0x0  }
0x228: {  	s21 =	sadd.s32 s22, s21;
	[sflag:s0] =	ssyncadd.s32 @!p0 $0xFFFF8000  }
0x229: {  	v9 =	vld [tilespmem:s21+$0x0]  }
0x22a: {  	v10 =	vld [tilespmem:s21+$0x10]  }
0x22b: {  	v11 =	vld [tilespmem:s21+$0x20]  }
0x22c: {  	v12 =	vld [tilespmem:s21+$0x30]  }
0x22d: {  	v13 =	vld [tilespmem:s21+$0x40]  }
0x22e: {  	v14 =	vld [tilespmem:s21+$0x50]  }
0x22f: {  	v15 =	vld [tilespmem:s21+$0x60]  }
0x230: {  	v16 =	vld [tilespmem:s21+$0x70]  }
0x231: {  	v8 =	vld [tilespmem:s21+$0x80]  }
0x232: {  	v6 =	vld [tilespmem:s21+$0x90];
	v1 =	vadd.s32 $0x80, v9  }
0x233: {  	v3 =	vld [tilespmem:s21+$0xA0]  }
0x234: {  	v4 =	vld [tilespmem:s21+$0xB0]  }
0x235: {  	v7 =	vld [tilespmem:s21+$0xC0]  }
0x236: {  	v19 =	vld.idx.msk [tilespmem:v9+s3+$0x0], $0xffff  }
0x237: {  	v17 =	vld.idx.msk [tilespmem:v1+s3+$0x0], $0xffff  }
0x238: {  	s2 =	simm.s32 $0x0;
	v5 =	vld [tilespmem:s21+$0xD0];
	v18 =	vadd.s32 $0x80, v10  }
0x239: {  	s24 =	sand.u32 $0x7800, s2;
	s2 =	sand.u32 $0x300, s2;
	v2 =	vld [tilespmem:s21+$0xE0]  }
0x23a: {  	v1 =	vld [tilespmem:s21+$0xF0];
	s21 =	sor.u32 s2, s24  }
0x23b: {  	[tilespmem:s21+$0xF000] =	vst v19  }
0x23c: {  	v19 =	vld.idx.msk [tilespmem:v10+s3+$0x0], $0xffff;
	[tilespmem:s21+$0xF080] =	vst v17  }
0x23d: {  	v17 =	vld.idx.msk [tilespmem:v18+s3+$0x0], $0xffff  }
0x23e: {  	v18 =	vadd.s32 $0x80, v11;
	_ =	sdelay $0x2  }
0x23f: {  	[tilespmem:s21+$0xF010] =	vst v19  }
0x240: {  	v19 =	vld.idx.msk [tilespmem:v11+s3+$0x0], $0xffff;
	[tilespmem:s21+$0xF090] =	vst v17  }
0x241: {  	v17 =	vld.idx.msk [tilespmem:v18+s3+$0x0], $0xffff  }
0x242: {  	v18 =	vadd.s32 $0x80, v12;
	_ =	sdelay $0x1  }
0x243: {  	v9 =	vadd.s32 $0x100, v9  }
0x244: {  	[tilespmem:s21+$0xF020] =	vst v19;
	v19 =	vadd.s32 $0x80, v9  }
0x245: {  	v20 =	vld.idx.msk [tilespmem:v12+s3+$0x0], $0xffff;
	[tilespmem:s21+$0xF0A0] =	vst v17  }
0x246: {  	v17 =	vld.idx.msk [tilespmem:v18+s3+$0x0], $0xffff  }
0x247: {  	v18 =	vadd.s32 $0x80, v13;
	_ =	sdelay $0x1  }
0x248: {  	v10 =	vadd.s32 $0x100, v10;
	v19 =	vld.idx.msk [tilespmem:v19+s3+$0x0], $0xffff  }
0x249: {  	v21 =	vadd.s32 $0x80, v10;
	[tilespmem:s21+$0xF030] =	vst v20;
	v20 =	vld.idx.msk [tilespmem:v9+s3+$0x0], $0xffff  }
0x24a: {  	s25 =	simm.s32 $0x100;
	s26 =	simm.s32 $0x200;
	v22 =	vld.idx.msk [tilespmem:v13+s3+$0x0], $0xffff;
	[tilespmem:s21+$0xF0B0] =	vst v17  }
0x24b: {  	s0 =	sand.u32 $0x300, s25;
	s2 =	sand.u32 $0x7800, s26;
	v17 =	vld.idx.msk [tilespmem:v18+s3+$0x0], $0xffff  }
0x24c: {  	s24 =	sor.u32 s0, s2;
	v18 =	vadd.s32 $0x80, v14  }
0x24d: {  	[tilespmem:s24+$0xF080] =	vst v19  }
0x24e: {  	v11 =	vadd.s32 $0x100, v11;
	[tilespmem:s24+$0xF000] =	vst v20;
	v19 =	vld.idx.msk [tilespmem:v21+s3+$0x0], $0xffff  }
0x24f: {  	v21 =	vadd.s32 $0x80, v11;
	[tilespmem:s21+$0xF040] =	vst v22;
	v20 =	vld.idx.msk [tilespmem:v10+s3+$0x0], $0xffff  }
0x250: {  	v22 =	vld.idx.msk [tilespmem:v14+s3+$0x0], $0xffff;
	[tilespmem:s21+$0xF0C0] =	vst v17  }
0x251: {  	v17 =	vld.idx.msk [tilespmem:v18+s3+$0x0], $0xffff  }
0x252: {  	v18 =	vadd.s32 $0x80, v15  }
0x253: {  	[tilespmem:s24+$0xF090] =	vst v19  }
0x254: {  	v12 =	vadd.s32 $0x100, v12;
	[tilespmem:s24+$0xF010] =	vst v20;
	v19 =	vld.idx.msk [tilespmem:v21+s3+$0x0], $0xffff  }
0x255: {  	v21 =	vadd.s32 $0x80, v12;
	[tilespmem:s21+$0xF050] =	vst v22;
	v20 =	vld.idx.msk [tilespmem:v11+s3+$0x0], $0xffff  }
0x256: {  	v22 =	vld.idx.msk [tilespmem:v15+s3+$0x0], $0xffff;
	[tilespmem:s21+$0xF0D0] =	vst v17  }
0x257: {  	v17 =	vld.idx.msk [tilespmem:v18+s3+$0x0], $0xffff  }
0x258: {  	v18 =	vadd.s32 $0x80, v16  }
0x259: {  	[tilespmem:s24+$0xF0A0] =	vst v19  }
0x25a: {  	v13 =	vadd.s32 $0x100, v13;
	[tilespmem:s24+$0xF020] =	vst v20;
	v19 =	vld.idx.msk [tilespmem:v21+s3+$0x0], $0xffff  }
0x25b: {  	v21 =	vadd.s32 $0x80, v13;
	[tilespmem:s21+$0xF060] =	vst v22;
	v20 =	vld.idx.msk [tilespmem:v12+s3+$0x0], $0xffff  }
0x25c: {  	v22 =	vld.idx.msk [tilespmem:v16+s3+$0x0], $0xffff;
	[tilespmem:s21+$0xF0E0] =	vst v17  }
0x25d: {  	v17 =	vld.idx.msk [tilespmem:v18+s3+$0x0], $0xffff  }
0x25e: {  	v18 =	vadd.s32 $0x80, v8  }
0x25f: {  	[tilespmem:s24+$0xF0B0] =	vst v19  }
0x260: {  	v9 =	vadd.s32 $0x100, v9;
	v14 =	vadd.s32 $0x100, v14;
	[tilespmem:s24+$0xF030] =	vst v20;
	v19 =	vld.idx.msk [tilespmem:v21+s3+$0x0], $0xffff  }
0x261: {  	v21 =	vadd.s32 $0x80, v14;
	[tilespmem:s21+$0xF070] =	vst v22;
	v20 =	vld.idx.msk [tilespmem:v13+s3+$0x0], $0xffff  }
0x262: {  	v22 =	vld.idx.msk [tilespmem:v8+s3+$0x0], $0xffff;
	[tilespmem:s21+$0xF0F0] =	vst v17  }
0x263: {  	v17 =	vld.idx.msk [tilespmem:v18+s3+$0x0], $0xffff  }
0x264: {  	v18 =	vadd.s32 $0x80, v6  }
0x265: {  	v23 =	vadd.s32 $0x80, v9;
	v24 =	vld.idx.msk [tilespmem:v9+s3+$0x0], $0xffff;
	[tilespmem:s24+$0xF0C0] =	vst v19  }
0x266: {  	v10 =	vadd.s32 $0x100, v10;
	v15 =	vadd.s32 $0x100, v15;
	[tilespmem:s24+$0xF040] =	vst v20;
	v19 =	vld.idx.msk [tilespmem:v21+s3+$0x0], $0xffff  }
0x267: {  	s31 =	simm.s32 $0x200;
	s25 =	simm.s32 $0x400;
	v21 =	vadd.s32 $0x80, v15;
	[tilespmem:s21+$0xF400] =	vst v22;
	v20 =	vld.idx.msk [tilespmem:v14+s3+$0x0], $0xffff  }
0x268: {  	s2 =	sand.u32 $0x7800, s25;
	s0 =	sand.u32 $0x300, s31;
	v22 =	vld.idx.msk [tilespmem:v6+s3+$0x0], $0xffff;
	[tilespmem:s21+$0xF480] =	vst v17  }
0x269: {  	s25 =	sor.u32 s0, s2;
	v17 =	vld.idx.msk [tilespmem:v18+s3+$0x0], $0xffff  }
0x26a: {  	[tilespmem:s25+$0xF000] =	vst v24;
	v18 =	vld.idx.msk [tilespmem:v23+s3+$0x0], $0xffff;
	v23 =	vadd.s32 $0x80, v3  }
0x26b: {  	v25 =	vadd.s32 $0x80, v10;
	v24 =	vld.idx.msk [tilespmem:v10+s3+$0x0], $0xffff;
	[tilespmem:s24+$0xF0D0] =	vst v19  }
0x26c: {  	v11 =	vadd.s32 $0x100, v11;
	v16 =	vadd.s32 $0x100, v16;
	[tilespmem:s24+$0xF050] =	vst v20;
	v19 =	vld.idx.msk [tilespmem:v21+s3+$0x0], $0xffff  }
0x26d: {  	v21 =	vadd.s32 $0x80, v16;
	v20 =	vld.idx.msk [tilespmem:v15+s3+$0x0], $0xffff;
	[tilespmem:s21+$0xF410] =	vst v22  }
0x26e: {  	v22 =	vld.idx.msk [tilespmem:v3+s3+$0x0], $0xffff;
	[tilespmem:s21+$0xF490] =	vst v17  }
0x26f: {  	[tilespmem:s25+$0xF080] =	vst v18;
	v17 =	vld.idx.msk [tilespmem:v23+s3+$0x0], $0xffff  }
0x270: {  	[tilespmem:s25+$0xF010] =	vst v24;
	v18 =	vld.idx.msk [tilespmem:v25+s3+$0x0], $0xffff;
	v23 =	vadd.s32 $0x80, v4  }
0x271: {  	v24 =	vld.idx.msk [tilespmem:v11+s3+$0x0], $0xffff;
	v25 =	vadd.s32 $0x80, v11;
	[tilespmem:s24+$0xF0E0] =	vst v19  }
0x272: {  	[tilespmem:s24+$0xF060] =	vst v20;
	v19 =	vld.idx.msk [tilespmem:v21+s3+$0x0], $0xffff  }
0x273: {  	v12 =	vadd.s32 $0x100, v12;
	v20 =	vadd.s32 $0x100, v8;
	v8 =	vld.idx.msk [tilespmem:v16+s3+$0x0], $0xffff;
	[tilespmem:s21+$0xF420] =	vst v22  }
0x274: {  	v22 =	vld.idx.msk [tilespmem:v4+s3+$0x0], $0xffff;
	[tilespmem:s21+$0xF4A0] =	vst v17  }
0x275: {  	v21 =	vadd.s32 $0x80, v20;
	[tilespmem:s25+$0xF090] =	vst v18;
	v17 =	vld.idx.msk [tilespmem:v23+s3+$0x0], $0xffff  }
0x276: {  	[tilespmem:s25+$0xF020] =	vst v24;
	v18 =	vld.idx.msk [tilespmem:v25+s3+$0x0], $0xffff;
	v23 =	vadd.s32 $0x80, v7  }
0x277: {  	v25 =	vadd.s32 $0x80, v12;
	[tilespmem:s24+$0xF0F0] =	vst v19  }
0x278: {  	v24 =	vld.idx.msk [tilespmem:v12+s3+$0x0], $0xffff;
	[tilespmem:s24+$0xF070] =	vst v8  }
0x279: {  	v19 =	vld.idx.msk [tilespmem:v20+s3+$0x0], $0xffff;
	[tilespmem:s21+$0xF430] =	vst v22;
	v22 =	vadd.s32 $0x100, v9  }
0x27a: {  	v13 =	vadd.s32 $0x100, v13;
	v8 =	vld.idx.msk [tilespmem:v21+s3+$0x0], $0xffff;
	[tilespmem:s21+$0xF4B0] =	vst v17  }
0x27b: {  	[tilespmem:s25+$0xF0A0] =	vst v18;
	v17 =	vld.idx.msk [tilespmem:v23+s3+$0x0], $0xffff  }
0x27c: {  	v18 =	vld.idx.msk [tilespmem:v25+s3+$0x0], $0xffff;
	v23 =	vadd.s32 $0x80, v5  }
0x27d: {  	v26 =	vadd.s32 $0x100, v6;
	[tilespmem:s25+$0xF030] =	vst v24;
	v25 =	vadd.s32 $0x80, v13  }
0x27e: {  	v9 =	vadd.s32 $0x80, v26;
	[tilespmem:s24+$0xF400] =	vst v19;
	v19 =	vld.idx.msk [tilespmem:v22+s3+$0x0], $0xffff  }
0x27f: {  	v24 =	vld.idx.msk [tilespmem:v13+s3+$0x0], $0xffff;
	[tilespmem:s24+$0xF480] =	vst v8;
	v8 =	vadd.s32 $0x100, v10  }
0x280: {  	s29 =	simm.s32 $0x600;
	s28 =	simm.s32 $0x300;
	v6 =	vadd.s32 $0x100, v14;
	v21 =	vld.idx.msk [tilespmem:v7+s3+$0x0], $0xffff;
	[tilespmem:s21+$0xF4C0] =	vst v17  }
0x281: {  	s26 =	sand.u32 $0x7800, s29;
	s31 =	sand.u32 $0x300, s28;
	v17 =	vadd.s32 $0x80, v22;
	[tilespmem:s25+$0xF0B0] =	vst v18;
	v18 =	vld.idx.msk [tilespmem:v23+s3+$0x0], $0xffff  }
0x282: {  	s26 =	sor.u32 s31, s26;
	v14 =	vadd.s32 $0x80, v2;
	v23 =	vld.idx.msk [tilespmem:v25+s3+$0x0], $0xffff  }
0x283: {  	v27 =	vld.idx.msk [tilespmem:v9+s3+$0x0], $0xffff;
	v25 =	vadd.s32 $0x80, v6;
	[tilespmem:s26+$0xF000] =	vst v19  }
0x284: {  	[tilespmem:s25+$0xF040] =	vst v24;
	v19 =	vld.idx.msk [tilespmem:v8+s3+$0x0], $0xffff  }
0x285: {  	v3 =	vadd.s32 $0x100, v3;
	v11 =	vadd.s32 $0x100, v11;
	[tilespmem:s21+$0xF440] =	vst v21;
	v21 =	vld.idx.msk [tilespmem:v6+s3+$0x0], $0xffff  }
0x286: {  	v10 =	vadd.s32 $0x80, v3;
	v17 =	vld.idx.msk [tilespmem:v17+s3+$0x0], $0xffff;
	[tilespmem:s21+$0xF4D0] =	vst v18  }
0x287: {  	v18 =	vadd.s32 $0x80, v8;
	[tilespmem:s25+$0xF0C0] =	vst v23;
	v14 =	vld.idx.msk [tilespmem:v14+s3+$0x0], $0xffff  }
0x288: {  	v9 =	vadd.s32 $0x100, v15;
	[tilespmem:s24+$0xF490] =	vst v27;
	v23 =	vld.idx.msk [tilespmem:v25+s3+$0x0], $0xffff  }
0x289: {  	v24 =	vadd.s32 $0x80, v9;
	v25 =	vld.idx.msk [tilespmem:v26+s3+$0x0], $0xffff;
	[tilespmem:s26+$0xF010] =	vst v19  }
0x28a: {  	v15 =	vadd.s32 $0x80, v1;
	[tilespmem:s25+$0xF050] =	vst v21;
	v19 =	vld.idx.msk [tilespmem:v11+s3+$0x0], $0xffff  }
0x28b: {  	v4 =	vadd.s32 $0x100, v4;
	[tilespmem:s26+$0xF080] =	vst v17;
	v17 =	vld.idx.msk [tilespmem:v10+s3+$0x0], $0xffff  }
0x28c: {  	v27 =	vadd.s32 $0x80, v4;
	v18 =	vld.idx.msk [tilespmem:v18+s3+$0x0], $0xffff;
	[tilespmem:s21+$0xF4E0] =	vst v14  }
0x28d: {  	v14 =	vadd.s32 $0x80, v11;
	[tilespmem:s25+$0xF0D0] =	vst v23;
	v23 =	vld.idx.msk [tilespmem:v9+s3+$0x0], $0xffff  }
0x28e: {  	v21 =	vld.idx.msk [tilespmem:v24+s3+$0x0], $0xffff  }
0x28f: {  	v10 =	vadd.s32 $0x100, v16;
	[tilespmem:s24+$0xF410] =	vst v25;
	v15 =	vld.idx.msk [tilespmem:v15+s3+$0x0], $0xffff  }
0x290: {  	v16 =	vadd.s32 $0x80, v10;
	v24 =	vld.idx.msk [tilespmem:v3+s3+$0x0], $0xffff;
	[tilespmem:s24+$0xF4A0] =	vst v17  }
0x291: {  	v7 =	vadd.s32 $0x100, v7;
	[tilespmem:s26+$0xF090] =	vst v18;
	v17 =	vld.idx.msk [tilespmem:v27+s3+$0x0], $0xffff  }
0x292: {  	v25 =	vadd.s32 $0x80, v7;
	v18 =	vld.idx.msk [tilespmem:v14+s3+$0x0], $0xffff;
	[tilespmem:s25+$0xF060] =	vst v23  }
0x293: {  	v14 =	vadd.s32 $0x100, v12;
	[tilespmem:s25+$0xF0E0] =	vst v21;
	v21 =	vld.idx.msk [tilespmem:v5+s3+$0x0], $0xffff  }
0x294: {  	[tilespmem:s21+$0xF4F0] =	vst v15;
	v15 =	vadd.s32 $0x80, v14;
	v27 =	vld.idx.msk [tilespmem:v10+s3+$0x0], $0xffff  }
0x295: {  	[tilespmem:s24+$0xF420] =	vst v24;
	v16 =	vld.idx.msk [tilespmem:v16+s3+$0x0], $0xffff  }
0x296: {  	v12 =	vadd.s32 $0x100, v20;
	v28 =	vld.idx.msk [tilespmem:v4+s3+$0x0], $0xffff;
	[tilespmem:s24+$0xF4B0] =	vst v17  }
0x297: {  	[tilespmem:s26+$0xF020] =	vst v19;
	v20 =	vadd.s32 $0x80, v12;
	v29 =	vld.idx.msk [tilespmem:v25+s3+$0x0], $0xffff  }
0x298: {  	v5 =	vadd.s32 $0x100, v5;
	[tilespmem:s26+$0xF0A0] =	vst v18;
	v23 =	vld.idx.msk [tilespmem:v14+s3+$0x0], $0xffff  }
0x299: {  	v19 =	vadd.s32 $0x80, v5;
	v24 =	vld.idx.msk [tilespmem:v15+s3+$0x0], $0xffff;
	[tilespmem:s21+$0xF450] =	vst v21;
	v15 =	vadd.s32 $0x100, v13  }
0x29a: {  	[tilespmem:s25+$0xF070] =	vst v27;
	v17 =	vld.idx.msk [tilespmem:v2+s3+$0x0], $0xffff;
	v25 =	vadd.s32 $0x80, v15  }
0x29b: {  	[tilespmem:s25+$0xF0F0] =	vst v16;
	v21 =	vld.idx.msk [tilespmem:v12+s3+$0x0], $0xffff  }
0x29c: {  	v13 =	vadd.s32 $0x100, v26;
	[tilespmem:s24+$0xF430] =	vst v28;
	v20 =	vld.idx.msk [tilespmem:v20+s3+$0x0], $0xffff  }
0x29d: {  	s30 =	simm.s32 $0x6;
	v16 =	vadd.s32 $0x100, v22;
	v22 =	vadd.s32 $0x80, v13;
	v18 =	vld.idx.msk [tilespmem:v7+s3+$0x0], $0xffff;
	[tilespmem:s24+$0xF4C0] =	vst v29  }
.LBB2_17:
0x29e: {  	v26 =	vadd.s32 $0x80, v16;
	s30 =	sadd.s32 $0x2, s30;
	[tilespmem:s26+$0xF0B0] =	vst v24;
	v19 =	vld.idx.msk [tilespmem:v19+s3+$0x0], $0xffff  }
0x29f: {  	v2 =	vadd.s32 $0x100, v2;
	p0 =	slt.u32 s30, $0x7E;
	[tilespmem:s26+$0xF030] =	vst v23;
	v23 =	vld.idx.msk [tilespmem:v25+s3+$0x0], $0xffff  }
0x2a0: {  	v6 =	vadd.s32 $0x100, v6;
	v25 =	vadd.s32 $0x80, v2;
	v24 =	vld.idx.msk [tilespmem:v15+s3+$0x0], $0xffff;
	[tilespmem:s21+$0xF460] =	vst v17  }
0x2a1: {  	v17 =	vadd.s32 $0x80, v6;
	[tilespmem:s25+$0xF480] =	vst v20;
	v20 =	vld.idx.msk [tilespmem:v1+s3+$0x0], $0xffff  }
0x2a2: {  	[tilespmem:s25+$0xF400] =	vst v21;
	v21 =	vld.idx.msk [tilespmem:v22+s3+$0x0], $0xffff  }
0x2a3: {  	v3 =	vadd.s32 $0x100, v3;
	v22 =	vld.idx.msk [tilespmem:v26+s3+$0x0], $0xffff;
	[tilespmem:s24+$0xF440] =	vst v18  }
0x2a4: {  	v8 =	vadd.s32 $0x100, v8;
	v26 =	vadd.s32 $0x80, v3;
	v18 =	vld.idx.msk [tilespmem:v16+s3+$0x0], $0xffff;
	[tilespmem:s24+$0xF4D0] =	vst v19  }
0x2a5: {  	v19 =	vadd.s32 $0x80, v8;
	[tilespmem:s26+$0xF0C0] =	vst v23;
	v23 =	vld.idx.msk [tilespmem:v25+s3+$0x0], $0xffff  }
0x2a6: {  	s28 =	sadd.s32 $0x100, s28;
	s29 =	sadd.s32 $0x200, s29;
	v1 =	vadd.s32 $0x100, v1;
	[tilespmem:s26+$0xF040] =	vst v24;
	v17 =	vld.idx.msk [tilespmem:v17+s3+$0x0], $0xffff  }
0x2a7: {  	v9 =	vadd.s32 $0x100, v9;
	s0 =	sand.u32 $0x7800, s29;
	s2 =	sand.u32 $0x300, s28;
	v25 =	vadd.s32 $0x80, v1;
	v24 =	vld.idx.msk [tilespmem:v6+s3+$0x0], $0xffff;
	[tilespmem:s21+$0xF470] =	vst v20;
	s21 =	smov.u32 s24  }
0x2a8: {  	v20 =	vadd.s32 $0x80, v9;
	s24 =	smov.u32 s25;
	v27 =	vld.idx.msk [tilespmem:v13+s3+$0x0], $0xffff;
	[tilespmem:s25+$0xF490] =	vst v21;
	s25 =	smov.u32 s26;
	s26 =	sor.u32 s2, s0  }
0x2a9: {  	[tilespmem:s26+$0xF080] =	vst v22;
	v21 =	vld.idx.msk [tilespmem:v26+s3+$0x0], $0xffff  }
0x2aa: {  	v4 =	vadd.s32 $0x100, v4;
	[tilespmem:s26+$0xF000] =	vst v18;
	v18 =	vld.idx.msk [tilespmem:v19+s3+$0x0], $0xffff  }
0x2ab: {  	v11 =	vadd.s32 $0x100, v11;
	v22 =	vadd.s32 $0x80, v4;
	v19 =	vld.idx.msk [tilespmem:v8+s3+$0x0], $0xffff;
	[tilespmem:s21+$0xF4E0] =	vst v23  }
0x2ac: {  	v23 =	vadd.s32 $0x80, v11;
	[tilespmem:s25+$0xF0D0] =	vst v17;
	v17 =	vld.idx.msk [tilespmem:v25+s3+$0x0], $0xffff  }
0x2ad: {  	[tilespmem:s25+$0xF050] =	vst v24;
	v20 =	vld.idx.msk [tilespmem:v20+s3+$0x0], $0xffff  }
0x2ae: {  	v10 =	vadd.s32 $0x100, v10;
	v24 =	vld.idx.msk [tilespmem:v9+s3+$0x0], $0xffff;
	[tilespmem:s24+$0xF410] =	vst v27  }
0x2af: {  	v25 =	vadd.s32 $0x80, v10;
	v26 =	vld.idx.msk [tilespmem:v3+s3+$0x0], $0xffff;
	[tilespmem:s24+$0xF4A0] =	vst v21  }
0x2b0: {  	[tilespmem:s26+$0xF090] =	vst v18;
	v18 =	vld.idx.msk [tilespmem:v22+s3+$0x0], $0xffff  }
0x2b1: {  	v7 =	vadd.s32 $0x100, v7;
	[tilespmem:s26+$0xF010] =	vst v19;
	v19 =	vld.idx.msk [tilespmem:v23+s3+$0x0], $0xffff  }
0x2b2: {  	v14 =	vadd.s32 $0x100, v14;
	v22 =	vadd.s32 $0x80, v7;
	v21 =	vld.idx.msk [tilespmem:v11+s3+$0x0], $0xffff;
	[tilespmem:s21+$0xF4F0] =	vst v17  }
0x2b3: {  	v17 =	vadd.s32 $0x80, v14;
	[tilespmem:s25+$0xF0E0] =	vst v20;
	v20 =	vld.idx.msk [tilespmem:v5+s3+$0x0], $0xffff  }
0x2b4: {  	[tilespmem:s25+$0xF060] =	vst v24;
	v27 =	vld.idx.msk [tilespmem:v25+s3+$0x0], $0xffff  }
0x2b5: {  	v12 =	vadd.s32 $0x100, v12;
	v28 =	vld.idx.msk [tilespmem:v10+s3+$0x0], $0xffff;
	[tilespmem:s24+$0xF420] =	vst v26  }
0x2b6: {  	v26 =	vadd.s32 $0x80, v12;
	v29 =	vld.idx.msk [tilespmem:v4+s3+$0x0], $0xffff;
	[tilespmem:s24+$0xF4B0] =	vst v18  }
0x2b7: {  	[tilespmem:s26+$0xF0A0] =	vst v19;
	v30 =	vld.idx.msk [tilespmem:v22+s3+$0x0], $0xffff  }
0x2b8: {  	v5 =	vadd.s32 $0x100, v5;
	[tilespmem:s26+$0xF020] =	vst v21;
	v24 =	vld.idx.msk [tilespmem:v17+s3+$0x0], $0xffff  }
.Ltmp7:
0x2b9: {  	v15 =	vadd.s32 $0x100, v15;
	v19 =	vadd.s32 $0x80, v5;
	v23 =	vld.idx.msk [tilespmem:v14+s3+$0x0], $0xffff;
	[tilespmem:s21+$0xF450] =	vst v20;
	(pc) =	sbr.rel @p0 .LBB2_17-.Ltmp7, $4  }
0x2ba: {  	v25 =	vadd.s32 $0x80, v15;
	[tilespmem:s25+$0xF0F0] =	vst v27;
	v17 =	vld.idx.msk [tilespmem:v2+s3+$0x0], $0xffff  }
0x2bb: {  	[tilespmem:s25+$0xF070] =	vst v28;
	v20 =	vld.idx.msk [tilespmem:v26+s3+$0x0], $0xffff  }
0x2bc: {  	v13 =	vadd.s32 $0x100, v13;
	v21 =	vld.idx.msk [tilespmem:v12+s3+$0x0], $0xffff;
	[tilespmem:s24+$0xF430] =	vst v29  }
0x2bd: {  	v16 =	vadd.s32 $0x100, v16;
	v22 =	vadd.s32 $0x80, v13;
	v18 =	vld.idx.msk [tilespmem:v7+s3+$0x0], $0xffff;
	[tilespmem:s24+$0xF4C0] =	vst v30  }
0x2be: {  	_ =	sdelay $0x2  }
0x2bf: {  	[tilespmem:s26+$0xF0B0] =	vst v24  }
0x2c0: {  	[tilespmem:s26+$0xF030] =	vst v23;
	v6 =	vadd.s32 $0x100, v6;
	v8 =	vld.idx.msk [tilespmem:v25+s3+$0x0], $0xffff  }
0x2c1: {  	v11 =	vld.idx.msk [tilespmem:v15+s3+$0x0], $0xffff;
	v14 =	vadd.s32 $0x80, v6;
	_ =	sdelay $0x3  }
0x2c2: {  	[tilespmem:s26+$0xF0C0] =	vst v8  }
0x2c3: {  	v9 =	vadd.s32 $0x100, v9;
	[tilespmem:s26+$0xF040] =	vst v11;
	v8 =	vld.idx.msk [tilespmem:v14+s3+$0x0], $0xffff  }
0x2c4: {  	v28 =	vadd.s32 $0x80, v9;
	v6 =	vld.idx.msk [tilespmem:v6+s3+$0x0], $0xffff;
	_ =	sdelay $0x3  }
0x2c5: {  	[tilespmem:s26+$0xF0D0] =	vst v8  }
0x2c6: {  	v30 =	vadd.s32 $0x100, v10;
	[tilespmem:s26+$0xF050] =	vst v6;
	v29 =	vld.idx.msk [tilespmem:v28+s3+$0x0], $0xffff  }
0x2c7: {  	v10 =	vadd.s32 $0x80, v30;
	v9 =	vld.idx.msk [tilespmem:v9+s3+$0x0], $0xffff;
	_ =	sdelay $0x3  }
0x2c8: {  	[tilespmem:s26+$0xF0E0] =	vst v29  }
0x2c9: {  	v31 =	vadd.s32 $0x100, v12;
	[tilespmem:s26+$0xF060] =	vst v9;
	v6 =	vld.idx.msk [tilespmem:v10+s3+$0x0], $0xffff  }
0x2ca: {  	v32 =	vadd.s32 $0x80, v31;
	v8 =	vld.idx.msk [tilespmem:v30+s3+$0x0], $0xffff;
	_ =	sdelay $0x3  }
0x2cb: {  	[tilespmem:s26+$0xF0F0] =	vst v6  }
0x2cc: {  	v33 =	vadd.s32 $0x100, v13;
	[tilespmem:s26+$0xF070] =	vst v8;
	v6 =	vld.idx.msk [tilespmem:v32+s3+$0x0], $0xffff  }
0x2cd: {  	v34 =	vadd.s32 $0x80, v33;
	v9 =	vld.idx.msk [tilespmem:v31+s3+$0x0], $0xffff;
	_ =	sdelay $0x1  }
0x2ce: {  	[tilespmem:s25+$0xF480] =	vst v20  }
0x2cf: {  	v3 =	vadd.s32 $0x100, v3;
	[tilespmem:s25+$0xF400] =	vst v21;
	v35 =	vld.idx.msk [tilespmem:v22+s3+$0x0], $0xffff  }
0x2d0: {  	v36 =	vadd.s32 $0x80, v3;
	v37 =	vld.idx.msk [tilespmem:v13+s3+$0x0], $0xffff;
	[tilespmem:s26+$0xF480] =	vst v6  }
0x2d1: {  	v38 =	vadd.s32 $0x100, v3;
	[tilespmem:s26+$0xF400] =	vst v9;
	v6 =	vld.idx.msk [tilespmem:v34+s3+$0x0], $0xffff  }
0x2d2: {  	v39 =	vadd.s32 $0x80, v38;
	v8 =	vld.idx.msk [tilespmem:v33+s3+$0x0], $0xffff;
	_ =	sdelay $0x1  }
0x2d3: {  	[tilespmem:s25+$0xF490] =	vst v35  }
0x2d4: {  	v4 =	vadd.s32 $0x100, v4;
	v11 =	vld.idx.msk [tilespmem:v36+s3+$0x0], $0xffff;
	[tilespmem:s25+$0xF410] =	vst v37  }
0x2d5: {  	v40 =	vadd.s32 $0x80, v4;
	v3 =	vld.idx.msk [tilespmem:v3+s3+$0x0], $0xffff;
	[tilespmem:s26+$0xF490] =	vst v6  }
0x2d6: {  	v41 =	vadd.s32 $0x100, v4;
	[tilespmem:s26+$0xF410] =	vst v8;
	v6 =	vld.idx.msk [tilespmem:v39+s3+$0x0], $0xffff  }
0x2d7: {  	v42 =	vadd.s32 $0x80, v41;
	v9 =	vld.idx.msk [tilespmem:v38+s3+$0x0], $0xffff;
	_ =	sdelay $0x1  }
0x2d8: {  	[tilespmem:s25+$0xF4A0] =	vst v11  }
0x2d9: {  	v7 =	vadd.s32 $0x100, v7;
	v11 =	vld.idx.msk [tilespmem:v40+s3+$0x0], $0xffff;
	[tilespmem:s25+$0xF420] =	vst v3  }
0x2da: {  	v3 =	vadd.s32 $0x80, v7;
	v4 =	vld.idx.msk [tilespmem:v4+s3+$0x0], $0xffff;
	[tilespmem:s26+$0xF4A0] =	vst v6  }
0x2db: {  	v43 =	vadd.s32 $0x100, v7;
	[tilespmem:s26+$0xF420] =	vst v9;
	v6 =	vld.idx.msk [tilespmem:v42+s3+$0x0], $0xffff  }
0x2dc: {  	v44 =	vadd.s32 $0x80, v43;
	v10 =	vld.idx.msk [tilespmem:v41+s3+$0x0], $0xffff  }
0x2dd: {  	[tilespmem:s21+$0xF460] =	vst v17  }
0x2de: {  	v45 =	vld.idx.msk [tilespmem:v19+s3+$0x0], $0xffff;
	[tilespmem:s25+$0xF4B0] =	vst v11  }
0x2df: {  	v46 =	vadd.s32 $0x100, v5;
	v3 =	vld.idx.msk [tilespmem:v3+s3+$0x0], $0xffff;
	[tilespmem:s25+$0xF430] =	vst v4  }
0x2e0: {  	v47 =	vadd.s32 $0x80, v46;
	v7 =	vld.idx.msk [tilespmem:v7+s3+$0x0], $0xffff;
	[tilespmem:s26+$0xF4B0] =	vst v6  }
0x2e1: {  	v48 =	vadd.s32 $0x100, v46;
	[tilespmem:s26+$0xF430] =	vst v10;
	v6 =	vld.idx.msk [tilespmem:v44+s3+$0x0], $0xffff  }
0x2e2: {  	v49 =	vadd.s32 $0x80, v48;
	[tilespmem:s24+$0xF440] =	vst v18;
	v8 =	vld.idx.msk [tilespmem:v43+s3+$0x0], $0xffff  }
0x2e3: {  	v2 =	vadd.s32 $0x100, v2;
	v50 =	vld.idx.msk [tilespmem:v1+s3+$0x0], $0xffff;
	[tilespmem:s24+$0xF4D0] =	vst v45  }
0x2e4: {  	v51 =	vadd.s32 $0x80, v2;
	v52 =	vld.idx.msk [tilespmem:v5+s3+$0x0], $0xffff;
	[tilespmem:s25+$0xF4C0] =	vst v3  }
0x2e5: {  	v53 =	vadd.s32 $0x100, v2;
	v3 =	vld.idx.msk [tilespmem:v47+s3+$0x0], $0xffff;
	[tilespmem:s25+$0xF440] =	vst v7  }
0x2e6: {  	v54 =	vadd.s32 $0x80, v53;
	v11 =	vld.idx.msk [tilespmem:v46+s3+$0x0], $0xffff;
	[tilespmem:s26+$0xF4C0] =	vst v6  }
0x2e7: {  	v55 =	vadd.s32 $0x100, v53;
	[tilespmem:s26+$0xF440] =	vst v8;
	v6 =	vld.idx.msk [tilespmem:v49+s3+$0x0], $0xffff  }
0x2e8: {  	v56 =	vadd.s32 $0x80, v55;
	[tilespmem:s21+$0xF470] =	vst v50;
	v9 =	vld.idx.msk [tilespmem:v48+s3+$0x0], $0xffff  }
0x2e9: {  	v1 =	vadd.s32 $0x100, v1;
	v12 =	vld.idx.msk [tilespmem:v51+s3+$0x0], $0xffff;
	[tilespmem:s24+$0xF450] =	vst v52  }
0x2ea: {  	v57 =	vadd.s32 $0x80, v1;
	v2 =	vld.idx.msk [tilespmem:v2+s3+$0x0], $0xffff;
	[tilespmem:s25+$0xF4D0] =	vst v3  }
0x2eb: {  	v58 =	vadd.s32 $0x100, v1;
	v3 =	vld.idx.msk [tilespmem:v54+s3+$0x0], $0xffff;
	[tilespmem:s25+$0xF450] =	vst v11  }
0x2ec: {  	v59 =	vadd.s32 $0x80, v58;
	v4 =	vld.idx.msk [tilespmem:v53+s3+$0x0], $0xffff;
	[tilespmem:s26+$0xF4D0] =	vst v6  }
0x2ed: {  	v60 =	vadd.s32 $0x100, v58;
	[tilespmem:s26+$0xF450] =	vst v9;
	v6 =	vld.idx.msk [tilespmem:v56+s3+$0x0], $0xffff  }
0x2ee: {  	v61 =	vadd.s32 $0x80, v60;
	[tilespmem:s24+$0xF4E0] =	vst v12;
	v10 =	vld.idx.msk [tilespmem:v55+s3+$0x0], $0xffff  }
0x2ef: {  	v5 =	vld.idx.msk [tilespmem:v57+s3+$0x0], $0xffff;
	[tilespmem:s24+$0xF460] =	vst v2  }
0x2f0: {  	v1 =	vld.idx.msk [tilespmem:v1+s3+$0x0], $0xffff;
	[tilespmem:s25+$0xF4E0] =	vst v3  }
0x2f1: {  	v2 =	vld.idx.msk [tilespmem:v59+s3+$0x0], $0xffff;
	[tilespmem:s25+$0xF460] =	vst v4  }
0x2f2: {  	v3 =	vld.idx.msk [tilespmem:v58+s3+$0x0], $0xffff;
	[tilespmem:s26+$0xF4E0] =	vst v6  }
0x2f3: {  	[tilespmem:s26+$0xF460] =	vst v10;
	v62 =	vld.idx.msk [tilespmem:v61+s3+$0x0], $0xffff  }
0x2f4: {  	s20 =	sadd.s32 $0x1, s20;
	[tilespmem:s24+$0xF4F0] =	vst v5;
	v63 =	vld.idx.msk [tilespmem:v60+s3+$0x0], $0xffff  }
0x2f5: {  	p0 =	sne.s32 s20, $0x10;
	[tilespmem:s24+$0xF470] =	vst v1  }
.Ltmp8:
0x2f6: {  	[tilespmem:s25+$0xF4F0] =	vst v2;
	(pc) =	sbr.rel @p0 .LBB2_14-.Ltmp8, $4  }
0x2f7: {  	[tilespmem:s25+$0xF470] =	vst v3  }
0x2f8: {  	s0 =	sadd.s32 s1, s22;
	[tilespmem:s26+$0xF4F0] =	vst v62  }
0x2f9: {  	s0 =	sadd.s32 s23, s0;
	[tilespmem:s26+$0xF470] =	vst v63  }
0x2fa: {  	[hbm4b:s0+s13] =	stream.strided.scatter [tilespmem:s16], [sflag:$0x2], $0x8000, s14, s13, $0x38;
	[tilespmem:$0x17000] =	vst v63  }
0x2fb: {  	s19 =	sadd.s32 $0x1, s19  }
0x2fc: {  	_ =	swait.ge [sflag:s17], $0x8000;
	p0 =	sne.s32 s19, s8  }
.Ltmp9:
0x2fd: {  	[sflag:s17] =	ssyncset.done $0x0;
	(pc) =	sbr.rel @p0 .LBB2_1-.Ltmp9, $4  }
0x2fe: {  	[sflag:s17] =	ssyncadd.s32 $0xFFFF8000  }
0x2ff: {  	_ =	swait.ge [sflag:s18], $0x8000  }
0x300: {  	[sflag:s18] =	ssyncset.done $0x0  }
0x301: {  	[sflag:s18] =	ssyncadd.s32 $0xFFFF8000  }
0x302: {  	_ =	sfence.sel $0x180000  }
0x303: {  	[bflag:$0x0] =	sbarrier.arrive $0xFFFF  }
0x304: {  	_ =	strace $0x90000047  }
0x305: {  	s0 =	stileid.u32;
	[bflag:$0x2] =	sbarrier.arrive $0xFFFF  }
0x306: {  	p0 =	sne.s32 s0, $0x0;
	s0 =	rddreg [dreg:$0x3]  }
0x307: {  	s0 =	sadd.s32 @!p0 $0x100000, s0  }
0x308: {  	[sflag:s0] =	ssyncadd.tile.s32 @!p0 $0x1;
	_ =	shalt  }
.Lfunc_end2:
_tile_overlayer_lowered:
.L_overlay_start_2:
0x309: {  	(tag) =	ssettag $0x2  }
0x30a: {  	s0 =	rddreg [dreg:$0x0];
	s2 =	stileid.u32  }
0x30b: {  	s1 =	rddreg [dreg:$0x1];
	p0 =	sne.s32 s2, $0x0  }
0x30c: {  	s3 =	rddreg [dreg:$0x2];
	[bflag:$0x3] =	sbarrier.arrive $0xFFFF;
	s2 =	simm.s32 @!p0 $0x1C03  }
0x30d: {  	[timem:s3], [sflag:s2] =	dma.local @!p0 [hbm:s0], s1  }
0x30e: {  	s0 =	simm.s32 @!p0 $0x3  }
0x30f: {  	_ =	swait.ge @!p0 [sflag:s0], s1  }
0x310: {  	s1 =	ssub.s32 @!p0 $0x0, s1;
	[sflag:s0] =	ssyncset.done @!p0 $0x0  }
0x311: {  	[sflag:s0] =	ssyncadd.s32 @!p0 s1  }
0x312: {  	[bflag:$0x3] =	sbarrier.arrive $0xFFFF  }
0x313: {  	_ =	shalt  }

</sc_bundles>
